<compile_context>
chip_gen: v7x
topology: tpu7x:2x2x1
jax: 0.10.2.dev20260603
libtpu: 0.0.44.dev20260713+nightly
codegen_flags: <defaults>
</compile_context>

<pallas_src>
import functools

import jax
import jax.numpy as jnp
from jax import lax
from jax.experimental import pallas as pl
from jax.experimental.pallas import tpu as pltpu
from jax.experimental.pallas import tpu_sc as plsc

HIDDEN = 1024
INTER = 2048
NUM_EXPERTS = 8
TOP_K = 2
LANES = 128

_BT = 256
_IB = 1024
_NW = 32
_CH = 32
_CSUM = 512


def _router_body(x_ref, wg_ref, cw_ref, pos_ref, eob_ref):
    x = x_ref[...]
    wg = wg_ref[...]
    tokens = x.shape[0]
    slots = TOP_K * tokens
    logits = lax.dot_general(x, wg, (((1,), (1,)), ((), ())),
                             preferred_element_type=jnp.float32)
    lane = lax.broadcasted_iota(jnp.int32, logits.shape, 1)
    neg = jnp.float32(-1e30)
    logits = jnp.where(lane < NUM_EXPERTS, logits, neg)
    m1 = jnp.max(logits, axis=1, keepdims=True)
    i1 = jnp.min(jnp.where(logits == m1, lane, LANES), axis=1, keepdims=True)
    logits2 = jnp.where(lane == i1, neg, logits)
    m2 = jnp.max(logits2, axis=1, keepdims=True)
    i2 = jnp.min(jnp.where(logits2 == m2, lane, LANES), axis=1, keepdims=True)
    t = jnp.exp(m2 - m1)
    w1 = 1.0 / (1.0 + t)
    w2 = 1.0 - w1
    cw_ref[...] = (jnp.where(lane == 0, i1.astype(jnp.float32), 0.0)
                   + jnp.where(lane == 1, i2.astype(jnp.float32), 0.0)
                   + jnp.where(lane == 2, w1, 0.0)
                   + jnp.where(lane == 3, w2, 0.0))

    e_flat = jnp.concatenate([i1, i2], axis=0)
    lane_s = lax.broadcasted_iota(jnp.int32, (slots, LANES), 1)
    onehot = jnp.where(lane_s == e_flat, 1.0, 0.0)
    r_iota = lax.broadcasted_iota(jnp.int32, (_CSUM, _CSUM), 0)
    c_iota = lax.broadcasted_iota(jnp.int32, (_CSUM, _CSUM), 1)
    lt = jnp.where(r_iota >= c_iota, 1.0, 0.0)
    carry = jnp.zeros((1, LANES), jnp.float32)
    parts = []
    for c in range(slots // _CSUM):
        chunk = lax.slice(onehot, (c * _CSUM, 0), ((c + 1) * _CSUM, LANES))
        cs = lax.dot_general(lt, chunk, (((1,), (0,)), ((), ())),
                             preferred_element_type=jnp.float32)
        parts.append(cs + carry)
        carry = carry + jnp.sum(chunk, axis=0, keepdims=True)
    incl = jnp.concatenate(parts, axis=0)
    rank = jnp.sum(jnp.where(lane_s == e_flat, incl, 0.0),
                   axis=1, keepdims=True) - 1.0
    counts = carry
    pcf = jnp.floor((counts + (_BT - 1)) / _BT) * _BT
    r1 = lax.broadcasted_iota(jnp.int32, (LANES, LANES), 0)
    c1 = lax.broadcasted_iota(jnp.int32, (LANES, LANES), 1)
    ut = jnp.where((r1 <= c1) & (r1 < NUM_EXPERTS), 1.0, 0.0)
    ends = lax.dot_general(pcf, ut, (((1,), (0,)), ((), ())),
                           preferred_element_type=jnp.float32)
    off = ends - pcf
    off_sel = jnp.sum(jnp.where(lane_s == e_flat, off, 0.0),
                      axis=1, keepdims=True)
    pos_ref[...] = (off_sel + rank).astype(jnp.int32)
    nb = eob_ref.shape[0]
    starts = lax.broadcasted_iota(jnp.int32, (nb, 1), 0).astype(jnp.float32) * _BT
    lane_b = lax.broadcasted_iota(jnp.int32, (nb, LANES), 1)
    hit = jnp.where((starts >= ends) & (lane_b < NUM_EXPERTS), 1.0, 0.0)
    eob_ref[...] = jnp.minimum(jnp.sum(hit, axis=1, keepdims=True),
                               NUM_EXPERTS - 1).astype(jnp.int32)


def _dispatch_body(xf_hbm, pos_hbm, xs_hbm, pos_a, pos_b, buf_a, buf_b,
                   sem_a, sem_b):
    cid = lax.axis_index("c")
    sid = lax.axis_index("s")
    wid = sid * 2 + cid
    slots = pos_hbm.shape[0]
    tokens = xf_hbm.shape[0]
    per_w = slots // _NW
    base = wid * per_w
    tbase = lax.rem(base, tokens)
    nch = per_w // _CH
    poss = (pos_a, pos_b)
    bufs = (buf_a, buf_b)
    sems = (sem_a, sem_b)
    sh = [None, None]
    for i in range(nch):
        p = i % 2
        if sh[p] is not None:
            sh[p].wait()
        pltpu.sync_copy(pos_hbm.at[pl.ds(base + i * _CH, _CH)], poss[p])
        pltpu.sync_copy(xf_hbm.at[pl.ds(tbase + i * _CH, _CH)], bufs[p])
        sh[p] = pltpu.async_copy(bufs[p], xs_hbm.at[poss[p]], sems[p])
    for p in range(2):
        if sh[p] is not None:
            sh[p].wait()


def _combine_body(yw_hbm, pos_hbm, ys_hbm, pos_a, pos_b, buf_a, buf_b,
                  gsem_a, gsem_b, ssem_a, ssem_b):
    cid = lax.axis_index("c")
    sid = lax.axis_index("s")
    wid = sid * 2 + cid
    slots = pos_hbm.shape[0]
    per_w = slots // _NW
    base = wid * per_w
    nch = per_w // _CH
    poss = (pos_a, pos_b)
    bufs = (buf_a, buf_b)
    gsems = (gsem_a, gsem_b)
    ssems = (ssem_a, ssem_b)
    gh = [None, None]
    sh = [None, None]
    for i in range(nch):
        p = i % 2
        if sh[p] is not None:
            sh[p].wait()
        pltpu.sync_copy(pos_hbm.at[pl.ds(base + i * _CH, _CH)], poss[p])
        gh[p] = pltpu.async_copy(yw_hbm.at[poss[p]], bufs[p], gsems[p])
        if i >= 1:
            q = (i - 1) % 2
            gh[q].wait()
            sh[q] = pltpu.async_copy(
                bufs[q], ys_hbm.at[pl.ds(base + (i - 1) * _CH, _CH)], ssems[q])
    p = (nch - 1) % 2
    gh[p].wait()
    pltpu.sync_copy(bufs[p], ys_hbm.at[pl.ds(base + (nch - 1) * _CH, _CH)])
    q = (nch - 2) % 2
    if sh[q] is not None:
        sh[q].wait()


def _ffn_body(eob_ref, xs_ref, gw_ref, uw_ref, dw_ref, out_ref):
    n = pl.program_id(1)
    x = xs_ref[...].astype(jnp.bfloat16)
    g = lax.dot_general(x, gw_ref[0], (((1,), (1,)), ((), ())),
                        preferred_element_type=jnp.float32)
    u = lax.dot_general(x, uw_ref[0], (((1,), (1,)), ((), ())),
                        preferred_element_type=jnp.float32)
    h = (g * jax.nn.sigmoid(g) * u).astype(jnp.bfloat16)
    y = lax.dot_general(h, dw_ref[0], (((1,), (1,)), ((), ())),
                        preferred_element_type=jnp.float32)

    @pl.when(n == 0)
    def _():
        out_ref[...] = y

    @pl.when(n > 0)
    def _():
        out_ref[...] += y


def _pairadd_body(cw_ref, y1_ref, y2_ref, out_ref):
    lane = lax.broadcasted_iota(jnp.int32, cw_ref.shape, 1)
    cw = cw_ref[...]
    w1 = jnp.sum(jnp.where(lane == 2, cw, 0.0), axis=1, keepdims=True)
    w2 = jnp.sum(jnp.where(lane == 3, cw, 0.0), axis=1, keepdims=True)
    out_ref[...] = w1 * y1_ref[...] + w2 * y2_ref[...]


def kernel(x, Wg, gate_w, up_w, down_w):
    batch, seq, hidden = x.shape
    tokens = batch * seq
    slots = tokens * TOP_K
    xf = x.reshape(tokens, hidden)
    wg_pad = jnp.zeros((LANES, hidden), Wg.dtype).at[:NUM_EXPERTS].set(Wg)

    nrows = slots + NUM_EXPERTS * (_BT - 1)
    nrows = ((nrows + _BT - 1) // _BT) * _BT
    nb = nrows // _BT

    routed, pos2, eob2 = pl.pallas_call(
        _router_body,
        out_shape=[
            jax.ShapeDtypeStruct((tokens, LANES), jnp.float32),
            jax.ShapeDtypeStruct((slots, 1), jnp.int32),
            jax.ShapeDtypeStruct((nb, 1), jnp.int32),
        ],
    )(xf, wg_pad)
    pos = pos2.reshape(slots)
    eob = eob2.reshape(nb)

    mesh = plsc.VectorSubcoreMesh(core_axis_name="c", subcore_axis_name="s")
    xs = pl.kernel(
        _dispatch_body,
        out_type=jax.ShapeDtypeStruct((nrows, hidden), jnp.float32),
        mesh=mesh,
        scratch_types=[
            pltpu.VMEM((_CH,), jnp.int32),
            pltpu.VMEM((_CH,), jnp.int32),
            pltpu.VMEM((_CH, hidden), jnp.float32),
            pltpu.VMEM((_CH, hidden), jnp.float32),
            pltpu.SemaphoreType.DMA,
            pltpu.SemaphoreType.DMA,
        ],
    )(xf, pos)

    gw16 = gate_w.astype(jnp.bfloat16)
    uw16 = up_w.astype(jnp.bfloat16)
    dw16 = down_w.astype(jnp.bfloat16)
    ni = INTER // _IB
    grid_spec = pltpu.PrefetchScalarGridSpec(
        num_scalar_prefetch=1,
        grid=(nb, ni),
        in_specs=[
            pl.BlockSpec((_BT, hidden), lambda b, n, eob_r: (b, 0)),
            pl.BlockSpec((1, _IB, hidden), lambda b, n, eob_r: (eob_r[b], n, 0)),
            pl.BlockSpec((1, _IB, hidden), lambda b, n, eob_r: (eob_r[b], n, 0)),
            pl.BlockSpec((1, hidden, _IB), lambda b, n, eob_r: (eob_r[b], 0, n)),
        ],
        out_specs=pl.BlockSpec((_BT, hidden), lambda b, n, eob_r: (b, 0)),
    )
    yw = pl.pallas_call(
        _ffn_body,
        grid_spec=grid_spec,
        out_shape=jax.ShapeDtypeStruct((nrows, hidden), jnp.float32),
    )(eob, xs, gw16, uw16, dw16)

    ys = pl.kernel(
        _combine_body,
        out_type=jax.ShapeDtypeStruct((slots, hidden), jnp.float32),
        mesh=mesh,
        scratch_types=[
            pltpu.VMEM((_CH,), jnp.int32),
            pltpu.VMEM((_CH,), jnp.int32),
            pltpu.VMEM((_CH, hidden), jnp.float32),
            pltpu.VMEM((_CH, hidden), jnp.float32),
            pltpu.SemaphoreType.DMA,
            pltpu.SemaphoreType.DMA,
            pltpu.SemaphoreType.DMA,
            pltpu.SemaphoreType.DMA,
        ],
    )(yw, pos)

    btp = 512
    out = pl.pallas_call(
        _pairadd_body,
        grid=(tokens // btp,),
        in_specs=[
            pl.BlockSpec((btp, LANES), lambda i: (i, 0)),
            pl.BlockSpec((btp, hidden), lambda i: (i, 0)),
            pl.BlockSpec((btp, hidden), lambda i: (i + tokens // btp, 0)),
        ],
        out_specs=pl.BlockSpec((btp, hidden), lambda i: (i, 0)),
        out_shape=jax.ShapeDtypeStruct((tokens, hidden), jnp.float32),
    )(routed, ys, ys)
    return out.reshape(batch, seq, hidden)

# --- scband reference (transcript-rebuilt; emitter-appended) ---
"""Pipeline reference for scband-mo-elayer-11579231830573 (READ-ONLY COPY).

The authoritative reference and input builder live on the scoring server;
editing this copy changes nothing except your own understanding.
"""

import jax, jax.numpy as jnp
import numpy as np

HIDDEN = 1024
INTER = 2048
E = 8
TOP_K = 2
B, S = 1, 2048


def setup_inputs(seed: int = 0) -> dict:
    key = jax.random.key(seed)
    ks = jax.random.split(key, 5)
    x = jax.random.normal(ks[0], (B, S, HIDDEN), dtype=jnp.float32)
    Wg = jax.random.normal(ks[1], (E, HIDDEN), dtype=jnp.float32) * 0.02
    gate_w = jax.random.normal(ks[2], (E, INTER, HIDDEN), dtype=jnp.float32) * 0.02
    up_w = jax.random.normal(ks[3], (E, INTER, HIDDEN), dtype=jnp.float32) * 0.02
    down_w = jax.random.normal(ks[4], (E, HIDDEN, INTER), dtype=jnp.float32) * 0.02
    return {"x": x, "Wg": Wg, "gate_w": gate_w, "up_w": up_w, "down_w": down_w}


def reference(x, Wg, gate_w, up_w, down_w):
    batch, seq, hidden = x.shape
    x_flat = x.reshape(-1, hidden)  # [T, H]
    # Router: logits = gate(x)
    logits = x_flat @ Wg.T  # [T, E]
    top_k_logits, top_k_indices = jax.lax.top_k(logits, TOP_K)  # [T, K]
    probs = jax.nn.softmax(top_k_logits.astype(jnp.float32), axis=-1).astype(logits.dtype)  # [T, K]
    # Per-token per-expert combine weights (equivalent to masked per-expert loop in torch)
    onehot = jax.nn.one_hot(top_k_indices, E, dtype=x.dtype)  # [T, K, E]
    combine = jnp.sum(probs[..., None] * onehot, axis=1)  # [T, E]

    def expert_fn(gw, uw, dw):
        h = jax.nn.silu(x_flat @ gw.T) * (x_flat @ uw.T)  # [T, INTER]
        return h @ dw.T  # [T, H]

    out_all = jax.vmap(expert_fn)(gate_w, up_w, down_w)  # [E, T, H]
    output = jnp.einsum('te,eth->th', combine, out_all)  # [T, H]
    return output.reshape(batch, seq, hidden)

if __name__ == "__main__":
    import jax
    _d = setup_inputs()
    print(jax.jit(kernel)(*tuple(_d.values())))

</pallas_src>

<mosaic_0001>
#map = affine_map<(d0, d1) -> (0, 0)>
#map1 = affine_map<(d0, d1) -> (0)>
module attributes {stable_mosaic.version = 14 : i64} {
  func.func @_dispatch_body(%arg0: i32, %arg1: i32, %arg2: memref<2048x1024xf32, #tpu.memory_space<hbm>>, %arg3: memref<4096xi32, #tpu.memory_space<hbm>>, %arg4: memref<6144x1024xf32, #tpu.memory_space<hbm>>, %arg5: memref<32xi32, #tpu.memory_space<vmem>>, %arg6: memref<32xi32, #tpu.memory_space<vmem>>, %arg7: memref<32x1024xf32, #tpu.memory_space<vmem>>, %arg8: memref<32x1024xf32, #tpu.memory_space<vmem>>, %arg9: memref<!tpu.dma_semaphore, #tpu.memory_space<semaphore_mem>>, %arg10: memref<!tpu.dma_semaphore, #tpu.memory_space<semaphore_mem>>) attributes {dimension_semantics = [#tpu.dimension_semantics<core_parallel>, #tpu.dimension_semantics<subcore_parallel>], iteration_bounds = array<i64: 2, 16>, scalar_prefetch = 0 : i64, scratch_operands = 6 : i64, tpu.core_type = #tpu.core_type<sc_vector_subcore>, window_params = [{transform_indices = #map}, {transform_indices = #map1}, {transform_indices = #map}]} {
    %mul3A = arith.constant 2 : i32
    %mul3A_0 = arith.muli %arg1, %mul3A : i32
    %add3A = arith.addi %mul3A_0, %arg0 : i32
    %mul3A_1 = arith.constant 128 : i32
    %mul3A_2 = arith.muli %add3A, %mul3A_1 : i32
    %rem3A = arith.constant 2048 : i32
    %rem3A_3 = arith.remsi %mul3A_2, %rem3A : i32
    %add3A_4 = arith.constant 0 : i32
    %add3A_5 = arith.addi %mul3A_2, %add3A_4 : i32
    "tpu.region"() ({
      %run_scoped3A = tpu.sem_alloc : memref<!tpu.dma_semaphore, #tpu.memory_space<semaphore_mem>>
      %dma_start3A_42 = tpu.memref_slice %arg3[%add3A_5] : memref<4096xi32, #tpu.memory_space<hbm>> -> memref<32xi32, #tpu.memory_space<hbm>>
      %dma_start3A_43 = tpu.memref_slice %arg3[%add3A_5] : memref<4096xi32, #tpu.memory_space<hbm>> -> memref<32xi32, #tpu.memory_space<hbm>>
      tpu.enqueue_dma source(%dma_start3A_43 : memref<32xi32, #tpu.memory_space<hbm>>) target(%arg5 : memref<32xi32, #tpu.memory_space<vmem>>) target_semaphore(%run_scoped3A : memref<!tpu.dma_semaphore, #tpu.memory_space<semaphore_mem>>)
      %dma_wait3A_44 = tpu.memref_slice %arg3[%add3A_5] : memref<4096xi32, #tpu.memory_space<hbm>> -> memref<32xi32, #tpu.memory_space<hbm>>
      %dma_wait3A_45 = tpu.memref_slice %arg3[%add3A_5] : memref<4096xi32, #tpu.memory_space<hbm>> -> memref<32xi32, #tpu.memory_space<hbm>>
      tpu.wait_dma2 semaphore(%run_scoped3A : memref<!tpu.dma_semaphore, #tpu.memory_space<semaphore_mem>>) src(%dma_wait3A_45 : memref<32xi32, #tpu.memory_space<hbm>>) dst(%arg5 : memref<32xi32, #tpu.memory_space<vmem>>)
      tpu.yield
    }) : () -> ()
    %add3A_6 = arith.constant 0 : i32
    %add3A_7 = arith.addi %rem3A_3, %add3A_6 : i32
    "tpu.region"() ({
      %run_scoped3A = tpu.sem_alloc : memref<!tpu.dma_semaphore, #tpu.memory_space<semaphore_mem>>
      %dma_start3A_42 = arith.constant 0 : i32
      %dma_start3A_43 = tpu.memref_slice %arg2[%add3A_7, %dma_start3A_42] : memref<2048x1024xf32, #tpu.memory_space<hbm>> -> memref<32x1024xf32, #tpu.memory_space<hbm>>
      %dma_start3A_44 = arith.constant 0 : i32
      %dma_start3A_45 = tpu.memref_slice %arg2[%add3A_7, %dma_start3A_44] : memref<2048x1024xf32, #tpu.memory_space<hbm>> -> memref<32x1024xf32, #tpu.memory_space<hbm>>
      tpu.enqueue_dma source(%dma_start3A_45 : memref<32x1024xf32, #tpu.memory_space<hbm>>) target(%arg7 : memref<32x1024xf32, #tpu.memory_space<vmem>>) target_semaphore(%run_scoped3A : memref<!tpu.dma_semaphore, #tpu.memory_space<semaphore_mem>>)
      %dma_wait3A_46 = arith.constant 0 : i32
      %dma_wait3A_47 = tpu.memref_slice %arg2[%add3A_7, %dma_wait3A_46] : memref<2048x1024xf32, #tpu.memory_space<hbm>> -> memref<32x1024xf32, #tpu.memory_space<hbm>>
      %dma_wait3A_48 = arith.constant 0 : i32
      %dma_wait3A_49 = tpu.memref_slice %arg2[%add3A_7, %dma_wait3A_48] : memref<2048x1024xf32, #tpu.memory_space<hbm>> -> memref<32x1024xf32, #tpu.memory_space<hbm>>
      tpu.wait_dma2 semaphore(%run_scoped3A : memref<!tpu.dma_semaphore, #tpu.memory_space<semaphore_mem>>) src(%dma_wait3A_49 : memref<32x1024xf32, #tpu.memory_space<hbm>>) dst(%arg7 : memref<32x1024xf32, #tpu.memory_space<vmem>>)
      tpu.yield
    }) : () -> ()
    %dma_start3A = arith.constant 0 : i32
    %dma_start3A_8 = arith.constant 0 : i32
    %dma_start3A_9 = tpu.memref_slice %arg4[%dma_start3A, %dma_start3A_8] : memref<6144x1024xf32, #tpu.memory_space<hbm>> -> memref<6144x1024xf32, #tpu.memory_space<hbm>>
    tpu.enqueue_indirect_dma source(%arg7 : memref<32x1024xf32, #tpu.memory_space<vmem>>) target(%dma_start3A_9 : memref<6144x1024xf32, #tpu.memory_space<hbm>>) offsets(%arg5 : memref<32xi32, #tpu.memory_space<vmem>>) semaphore(%arg9 : memref<!tpu.dma_semaphore, #tpu.memory_space<semaphore_mem>>)
    %add3A_10 = arith.constant 32 : i32
    %add3A_11 = arith.addi %mul3A_2, %add3A_10 : i32
    "tpu.region"() ({
      %run_scoped3A = tpu.sem_alloc : memref<!tpu.dma_semaphore, #tpu.memory_space<semaphore_mem>>
      %dma_start3A_42 = tpu.memref_slice %arg3[%add3A_11] : memref<4096xi32, #tpu.memory_space<hbm>> -> memref<32xi32, #tpu.memory_space<hbm>>
      %dma_start3A_43 = tpu.memref_slice %arg3[%add3A_11] : memref<4096xi32, #tpu.memory_space<hbm>> -> memref<32xi32, #tpu.memory_space<hbm>>
      tpu.enqueue_dma source(%dma_start3A_43 : memref<32xi32, #tpu.memory_space<hbm>>) target(%arg6 : memref<32xi32, #tpu.memory_space<vmem>>) target_semaphore(%run_scoped3A : memref<!tpu.dma_semaphore, #tpu.memory_space<semaphore_mem>>)
      %dma_wait3A_44 = tpu.memref_slice %arg3[%add3A_11] : memref<4096xi32, #tpu.memory_space<hbm>> -> memref<32xi32, #tpu.memory_space<hbm>>
      %dma_wait3A_45 = tpu.memref_slice %arg3[%add3A_11] : memref<4096xi32, #tpu.memory_space<hbm>> -> memref<32xi32, #tpu.memory_space<hbm>>
      tpu.wait_dma2 semaphore(%run_scoped3A : memref<!tpu.dma_semaphore, #tpu.memory_space<semaphore_mem>>) src(%dma_wait3A_45 : memref<32xi32, #tpu.memory_space<hbm>>) dst(%arg6 : memref<32xi32, #tpu.memory_space<vmem>>)
      tpu.yield
    }) : () -> ()
    %add3A_12 = arith.constant 32 : i32
    %add3A_13 = arith.addi %rem3A_3, %add3A_12 : i32
    "tpu.region"() ({
      %run_scoped3A = tpu.sem_alloc : memref<!tpu.dma_semaphore, #tpu.memory_space<semaphore_mem>>
      %dma_start3A_42 = arith.constant 0 : i32
      %dma_start3A_43 = tpu.memref_slice %arg2[%add3A_13, %dma_start3A_42] : memref<2048x1024xf32, #tpu.memory_space<hbm>> -> memref<32x1024xf32, #tpu.memory_space<hbm>>
      %dma_start3A_44 = arith.constant 0 : i32
      %dma_start3A_45 = tpu.memref_slice %arg2[%add3A_13, %dma_start3A_44] : memref<2048x1024xf32, #tpu.memory_space<hbm>> -> memref<32x1024xf32, #tpu.memory_space<hbm>>
      tpu.enqueue_dma source(%dma_start3A_45 : memref<32x1024xf32, #tpu.memory_space<hbm>>) target(%arg8 : memref<32x1024xf32, #tpu.memory_space<vmem>>) target_semaphore(%run_scoped3A : memref<!tpu.dma_semaphore, #tpu.memory_space<semaphore_mem>>)
      %dma_wait3A_46 = arith.constant 0 : i32
      %dma_wait3A_47 = tpu.memref_slice %arg2[%add3A_13, %dma_wait3A_46] : memref<2048x1024xf32, #tpu.memory_space<hbm>> -> memref<32x1024xf32, #tpu.memory_space<hbm>>
      %dma_wait3A_48 = arith.constant 0 : i32
      %dma_wait3A_49 = tpu.memref_slice %arg2[%add3A_13, %dma_wait3A_48] : memref<2048x1024xf32, #tpu.memory_space<hbm>> -> memref<32x1024xf32, #tpu.memory_space<hbm>>
      tpu.wait_dma2 semaphore(%run_scoped3A : memref<!tpu.dma_semaphore, #tpu.memory_space<semaphore_mem>>) src(%dma_wait3A_49 : memref<32x1024xf32, #tpu.memory_space<hbm>>) dst(%arg8 : memref<32x1024xf32, #tpu.memory_space<vmem>>)
      tpu.yield
    }) : () -> ()
    %dma_start3A_14 = arith.constant 0 : i32
    %dma_start3A_15 = arith.constant 0 : i32
    %dma_start3A_16 = tpu.memref_slice %arg4[%dma_start3A_14, %dma_start3A_15] : memref<6144x1024xf32, #tpu.memory_space<hbm>> -> memref<6144x1024xf32, #tpu.memory_space<hbm>>
    tpu.enqueue_indirect_dma source(%arg8 : memref<32x1024xf32, #tpu.memory_space<vmem>>) target(%dma_start3A_16 : memref<6144x1024xf32, #tpu.memory_space<hbm>>) offsets(%arg6 : memref<32xi32, #tpu.memory_space<vmem>>) semaphore(%arg10 : memref<!tpu.dma_semaphore, #tpu.memory_space<semaphore_mem>>)
    %dma_wait3A = arith.constant 0 : i32
    %dma_wait3A_17 = arith.constant 0 : i32
    %dma_wait3A_18 = tpu.memref_slice %arg4[%dma_wait3A, %dma_wait3A_17] : memref<6144x1024xf32, #tpu.memory_space<hbm>> -> memref<6144x1024xf32, #tpu.memory_space<hbm>>
    tpu.wait_indirect_dma semaphore(%arg9 : memref<!tpu.dma_semaphore, #tpu.memory_space<semaphore_mem>>) src(%arg7 : memref<32x1024xf32, #tpu.memory_space<vmem>>) dst(%dma_wait3A_18 : memref<6144x1024xf32, #tpu.memory_space<hbm>>)
    %add3A_19 = arith.constant 64 : i32
    %add3A_20 = arith.addi %mul3A_2, %add3A_19 : i32
    "tpu.region"() ({
      %run_scoped3A = tpu.sem_alloc : memref<!tpu.dma_semaphore, #tpu.memory_space<semaphore_mem>>
      %dma_start3A_42 = tpu.memref_slice %arg3[%add3A_20] : memref<4096xi32, #tpu.memory_space<hbm>> -> memref<32xi32, #tpu.memory_space<hbm>>
      %dma_start3A_43 = tpu.memref_slice %arg3[%add3A_20] : memref<4096xi32, #tpu.memory_space<hbm>> -> memref<32xi32, #tpu.memory_space<hbm>>
      tpu.enqueue_dma source(%dma_start3A_43 : memref<32xi32, #tpu.memory_space<hbm>>) target(%arg5 : memref<32xi32, #tpu.memory_space<vmem>>) target_semaphore(%run_scoped3A : memref<!tpu.dma_semaphore, #tpu.memory_space<semaphore_mem>>)
      %dma_wait3A_44 = tpu.memref_slice %arg3[%add3A_20] : memref<4096xi32, #tpu.memory_space<hbm>> -> memref<32xi32, #tpu.memory_space<hbm>>
      %dma_wait3A_45 = tpu.memref_slice %arg3[%add3A_20] : memref<4096xi32, #tpu.memory_space<hbm>> -> memref<32xi32, #tpu.memory_space<hbm>>
      tpu.wait_dma2 semaphore(%run_scoped3A : memref<!tpu.dma_semaphore, #tpu.memory_space<semaphore_mem>>) src(%dma_wait3A_45 : memref<32xi32, #tpu.memory_space<hbm>>) dst(%arg5 : memref<32xi32, #tpu.memory_space<vmem>>)
      tpu.yield
    }) : () -> ()
    %add3A_21 = arith.constant 64 : i32
    %add3A_22 = arith.addi %rem3A_3, %add3A_21 : i32
    "tpu.region"() ({
      %run_scoped3A = tpu.sem_alloc : memref<!tpu.dma_semaphore, #tpu.memory_space<semaphore_mem>>
      %dma_start3A_42 = arith.constant 0 : i32
      %dma_start3A_43 = tpu.memref_slice %arg2[%add3A_22, %dma_start3A_42] : memref<2048x1024xf32, #tpu.memory_space<hbm>> -> memref<32x1024xf32, #tpu.memory_space<hbm>>
      %dma_start3A_44 = arith.constant 0 : i32
      %dma_start3A_45 = tpu.memref_slice %arg2[%add3A_22, %dma_start3A_44] : memref<2048x1024xf32, #tpu.memory_space<hbm>> -> memref<32x1024xf32, #tpu.memory_space<hbm>>
      tpu.enqueue_dma source(%dma_start3A_45 : memref<32x1024xf32, #tpu.memory_space<hbm>>) target(%arg7 : memref<32x1024xf32, #tpu.memory_space<vmem>>) target_semaphore(%run_scoped3A : memref<!tpu.dma_semaphore, #tpu.memory_space<semaphore_mem>>)
      %dma_wait3A_46 = arith.constant 0 : i32
      %dma_wait3A_47 = tpu.memref_slice %arg2[%add3A_22, %dma_wait3A_46] : memref<2048x1024xf32, #tpu.memory_space<hbm>> -> memref<32x1024xf32, #tpu.memory_space<hbm>>
      %dma_wait3A_48 = arith.constant 0 : i32
      %dma_wait3A_49 = tpu.memref_slice %arg2[%add3A_22, %dma_wait3A_48] : memref<2048x1024xf32, #tpu.memory_space<hbm>> -> memref<32x1024xf32, #tpu.memory_space<hbm>>
      tpu.wait_dma2 semaphore(%run_scoped3A : memref<!tpu.dma_semaphore, #tpu.memory_space<semaphore_mem>>) src(%dma_wait3A_49 : memref<32x1024xf32, #tpu.memory_space<hbm>>) dst(%arg7 : memref<32x1024xf32, #tpu.memory_space<vmem>>)
      tpu.yield
    }) : () -> ()
    %dma_start3A_23 = arith.constant 0 : i32
    %dma_start3A_24 = arith.constant 0 : i32
    %dma_start3A_25 = tpu.memref_slice %arg4[%dma_start3A_23, %dma_start3A_24] : memref<6144x1024xf32, #tpu.memory_space<hbm>> -> memref<6144x1024xf32, #tpu.memory_space<hbm>>
    tpu.enqueue_indirect_dma source(%arg7 : memref<32x1024xf32, #tpu.memory_space<vmem>>) target(%dma_start3A_25 : memref<6144x1024xf32, #tpu.memory_space<hbm>>) offsets(%arg5 : memref<32xi32, #tpu.memory_space<vmem>>) semaphore(%arg9 : memref<!tpu.dma_semaphore, #tpu.memory_space<semaphore_mem>>)
    %dma_wait3A_26 = arith.constant 0 : i32
    %dma_wait3A_27 = arith.constant 0 : i32
    %dma_wait3A_28 = tpu.memref_slice %arg4[%dma_wait3A_26, %dma_wait3A_27] : memref<6144x1024xf32, #tpu.memory_space<hbm>> -> memref<6144x1024xf32, #tpu.memory_space<hbm>>
    tpu.wait_indirect_dma semaphore(%arg10 : memref<!tpu.dma_semaphore, #tpu.memory_space<semaphore_mem>>) src(%arg8 : memref<32x1024xf32, #tpu.memory_space<vmem>>) dst(%dma_wait3A_28 : memref<6144x1024xf32, #tpu.memory_space<hbm>>)
    %add3A_29 = arith.constant 96 : i32
    %add3A_30 = arith.addi %mul3A_2, %add3A_29 : i32
    "tpu.region"() ({
      %run_scoped3A = tpu.sem_alloc : memref<!tpu.dma_semaphore, #tpu.memory_space<semaphore_mem>>
      %dma_start3A_42 = tpu.memref_slice %arg3[%add3A_30] : memref<4096xi32, #tpu.memory_space<hbm>> -> memref<32xi32, #tpu.memory_space<hbm>>
      %dma_start3A_43 = tpu.memref_slice %arg3[%add3A_30] : memref<4096xi32, #tpu.memory_space<hbm>> -> memref<32xi32, #tpu.memory_space<hbm>>
      tpu.enqueue_dma source(%dma_start3A_43 : memref<32xi32, #tpu.memory_space<hbm>>) target(%arg6 : memref<32xi32, #tpu.memory_space<vmem>>) target_semaphore(%run_scoped3A : memref<!tpu.dma_semaphore, #tpu.memory_space<semaphore_mem>>)
      %dma_wait3A_44 = tpu.memref_slice %arg3[%add3A_30] : memref<4096xi32, #tpu.memory_space<hbm>> -> memref<32xi32, #tpu.memory_space<hbm>>
      %dma_wait3A_45 = tpu.memref_slice %arg3[%add3A_30] : memref<4096xi32, #tpu.memory_space<hbm>> -> memref<32xi32, #tpu.memory_space<hbm>>
      tpu.wait_dma2 semaphore(%run_scoped3A : memref<!tpu.dma_semaphore, #tpu.memory_space<semaphore_mem>>) src(%dma_wait3A_45 : memref<32xi32, #tpu.memory_space<hbm>>) dst(%arg6 : memref<32xi32, #tpu.memory_space<vmem>>)
      tpu.yield
    }) : () -> ()
    %add3A_31 = arith.constant 96 : i32
    %add3A_32 = arith.addi %rem3A_3, %add3A_31 : i32
    "tpu.region"() ({
      %run_scoped3A = tpu.sem_alloc : memref<!tpu.dma_semaphore, #tpu.memory_space<semaphore_mem>>
      %dma_start3A_42 = arith.constant 0 : i32
      %dma_start3A_43 = tpu.memref_slice %arg2[%add3A_32, %dma_start3A_42] : memref<2048x1024xf32, #tpu.memory_space<hbm>> -> memref<32x1024xf32, #tpu.memory_space<hbm>>
      %dma_start3A_44 = arith.constant 0 : i32
      %dma_start3A_45 = tpu.memref_slice %arg2[%add3A_32, %dma_start3A_44] : memref<2048x1024xf32, #tpu.memory_space<hbm>> -> memref<32x1024xf32, #tpu.memory_space<hbm>>
      tpu.enqueue_dma source(%dma_start3A_45 : memref<32x1024xf32, #tpu.memory_space<hbm>>) target(%arg8 : memref<32x1024xf32, #tpu.memory_space<vmem>>) target_semaphore(%run_scoped3A : memref<!tpu.dma_semaphore, #tpu.memory_space<semaphore_mem>>)
      %dma_wait3A_46 = arith.constant 0 : i32
      %dma_wait3A_47 = tpu.memref_slice %arg2[%add3A_32, %dma_wait3A_46] : memref<2048x1024xf32, #tpu.memory_space<hbm>> -> memref<32x1024xf32, #tpu.memory_space<hbm>>
      %dma_wait3A_48 = arith.constant 0 : i32
      %dma_wait3A_49 = tpu.memref_slice %arg2[%add3A_32, %dma_wait3A_48] : memref<2048x1024xf32, #tpu.memory_space<hbm>> -> memref<32x1024xf32, #tpu.memory_space<hbm>>
      tpu.wait_dma2 semaphore(%run_scoped3A : memref<!tpu.dma_semaphore, #tpu.memory_space<semaphore_mem>>) src(%dma_wait3A_49 : memref<32x1024xf32, #tpu.memory_space<hbm>>) dst(%arg8 : memref<32x1024xf32, #tpu.memory_space<vmem>>)
      tpu.yield
    }) : () -> ()
    %dma_start3A_33 = arith.constant 0 : i32
    %dma_start3A_34 = arith.constant 0 : i32
    %dma_start3A_35 = tpu.memref_slice %arg4[%dma_start3A_33, %dma_start3A_34] : memref<6144x1024xf32, #tpu.memory_space<hbm>> -> memref<6144x1024xf32, #tpu.memory_space<hbm>>
    tpu.enqueue_indirect_dma source(%arg8 : memref<32x1024xf32, #tpu.memory_space<vmem>>) target(%dma_start3A_35 : memref<6144x1024xf32, #tpu.memory_space<hbm>>) offsets(%arg6 : memref<32xi32, #tpu.memory_space<vmem>>) semaphore(%arg10 : memref<!tpu.dma_semaphore, #tpu.memory_space<semaphore_mem>>)
    %dma_wait3A_36 = arith.constant 0 : i32
    %dma_wait3A_37 = arith.constant 0 : i32
    %dma_wait3A_38 = tpu.memref_slice %arg4[%dma_wait3A_36, %dma_wait3A_37] : memref<6144x1024xf32, #tpu.memory_space<hbm>> -> memref<6144x1024xf32, #tpu.memory_space<hbm>>
    tpu.wait_indirect_dma semaphore(%arg9 : memref<!tpu.dma_semaphore, #tpu.memory_space<semaphore_mem>>) src(%arg7 : memref<32x1024xf32, #tpu.memory_space<vmem>>) dst(%dma_wait3A_38 : memref<6144x1024xf32, #tpu.memory_space<hbm>>)
    %dma_wait3A_39 = arith.constant 0 : i32
    %dma_wait3A_40 = arith.constant 0 : i32
    %dma_wait3A_41 = tpu.memref_slice %arg4[%dma_wait3A_39, %dma_wait3A_40] : memref<6144x1024xf32, #tpu.memory_space<hbm>> -> memref<6144x1024xf32, #tpu.memory_space<hbm>>
    tpu.wait_indirect_dma semaphore(%arg10 : memref<!tpu.dma_semaphore, #tpu.memory_space<semaphore_mem>>) src(%arg8 : memref<32x1024xf32, #tpu.memory_space<vmem>>) dst(%dma_wait3A_41 : memref<6144x1024xf32, #tpu.memory_space<hbm>>)
    return
  }
}

#map = affine_map<(d0, d1) -> (0, 0)>
#map1 = affine_map<(d0, d1) -> (0)>
module attributes {stable_mosaic.version = 14 : i64} {
  func.func @_combine_body(%arg0: i32, %arg1: i32, %arg2: memref<6144x1024xf32, #tpu.memory_space<hbm>>, %arg3: memref<4096xi32, #tpu.memory_space<hbm>>, %arg4: memref<4096x1024xf32, #tpu.memory_space<hbm>>, %arg5: memref<32xi32, #tpu.memory_space<vmem>>, %arg6: memref<32xi32, #tpu.memory_space<vmem>>, %arg7: memref<32x1024xf32, #tpu.memory_space<vmem>>, %arg8: memref<32x1024xf32, #tpu.memory_space<vmem>>, %arg9: memref<!tpu.dma_semaphore, #tpu.memory_space<semaphore_mem>>, %arg10: memref<!tpu.dma_semaphore, #tpu.memory_space<semaphore_mem>>, %arg11: memref<!tpu.dma_semaphore, #tpu.memory_space<semaphore_mem>>, %arg12: memref<!tpu.dma_semaphore, #tpu.memory_space<semaphore_mem>>) attributes {dimension_semantics = [#tpu.dimension_semantics<core_parallel>, #tpu.dimension_semantics<subcore_parallel>], iteration_bounds = array<i64: 2, 16>, scalar_prefetch = 0 : i64, scratch_operands = 8 : i64, tpu.core_type = #tpu.core_type<sc_vector_subcore>, window_params = [{transform_indices = #map}, {transform_indices = #map1}, {transform_indices = #map}]} {
    %mul3A = arith.constant 2 : i32
    %mul3A_0 = arith.muli %arg1, %mul3A : i32
    %add3A = arith.addi %mul3A_0, %arg0 : i32
    %mul3A_1 = arith.constant 128 : i32
    %mul3A_2 = arith.muli %add3A, %mul3A_1 : i32
    %add3A_3 = arith.constant 0 : i32
    %add3A_4 = arith.addi %mul3A_2, %add3A_3 : i32
    "tpu.region"() ({
      %run_scoped3A = tpu.sem_alloc : memref<!tpu.dma_semaphore, #tpu.memory_space<semaphore_mem>>
      %dma_start3A_65 = tpu.memref_slice %arg3[%add3A_4] : memref<4096xi32, #tpu.memory_space<hbm>> -> memref<32xi32, #tpu.memory_space<hbm>>
      %dma_start3A_66 = tpu.memref_slice %arg3[%add3A_4] : memref<4096xi32, #tpu.memory_space<hbm>> -> memref<32xi32, #tpu.memory_space<hbm>>
      tpu.enqueue_dma source(%dma_start3A_66 : memref<32xi32, #tpu.memory_space<hbm>>) target(%arg5 : memref<32xi32, #tpu.memory_space<vmem>>) target_semaphore(%run_scoped3A : memref<!tpu.dma_semaphore, #tpu.memory_space<semaphore_mem>>)
      %dma_wait3A_67 = tpu.memref_slice %arg3[%add3A_4] : memref<4096xi32, #tpu.memory_space<hbm>> -> memref<32xi32, #tpu.memory_space<hbm>>
      %dma_wait3A_68 = tpu.memref_slice %arg3[%add3A_4] : memref<4096xi32, #tpu.memory_space<hbm>> -> memref<32xi32, #tpu.memory_space<hbm>>
      tpu.wait_dma2 semaphore(%run_scoped3A : memref<!tpu.dma_semaphore, #tpu.memory_space<semaphore_mem>>) src(%dma_wait3A_68 : memref<32xi32, #tpu.memory_space<hbm>>) dst(%arg5 : memref<32xi32, #tpu.memory_space<vmem>>)
      tpu.yield
    }) : () -> ()
    %dma_start3A = arith.constant 0 : i32
    %dma_start3A_5 = arith.constant 0 : i32
    %dma_start3A_6 = tpu.memref_slice %arg2[%dma_start3A, %dma_start3A_5] : memref<6144x1024xf32, #tpu.memory_space<hbm>> -> memref<6144x1024xf32, #tpu.memory_space<hbm>>
    tpu.enqueue_indirect_dma source(%dma_start3A_6 : memref<6144x1024xf32, #tpu.memory_space<hbm>>) target(%arg7 : memref<32x1024xf32, #tpu.memory_space<vmem>>) offsets(%arg5 : memref<32xi32, #tpu.memory_space<vmem>>) semaphore(%arg9 : memref<!tpu.dma_semaphore, #tpu.memory_space<semaphore_mem>>)
    %add3A_7 = arith.constant 32 : i32
    %add3A_8 = arith.addi %mul3A_2, %add3A_7 : i32
    "tpu.region"() ({
      %run_scoped3A = tpu.sem_alloc : memref<!tpu.dma_semaphore, #tpu.memory_space<semaphore_mem>>
      %dma_start3A_65 = tpu.memref_slice %arg3[%add3A_8] : memref<4096xi32, #tpu.memory_space<hbm>> -> memref<32xi32, #tpu.memory_space<hbm>>
      %dma_start3A_66 = tpu.memref_slice %arg3[%add3A_8] : memref<4096xi32, #tpu.memory_space<hbm>> -> memref<32xi32, #tpu.memory_space<hbm>>
      tpu.enqueue_dma source(%dma_start3A_66 : memref<32xi32, #tpu.memory_space<hbm>>) target(%arg6 : memref<32xi32, #tpu.memory_space<vmem>>) target_semaphore(%run_scoped3A : memref<!tpu.dma_semaphore, #tpu.memory_space<semaphore_mem>>)
      %dma_wait3A_67 = tpu.memref_slice %arg3[%add3A_8] : memref<4096xi32, #tpu.memory_space<hbm>> -> memref<32xi32, #tpu.memory_space<hbm>>
      %dma_wait3A_68 = tpu.memref_slice %arg3[%add3A_8] : memref<4096xi32, #tpu.memory_space<hbm>> -> memref<32xi32, #tpu.memory_space<hbm>>
      tpu.wait_dma2 semaphore(%run_scoped3A : memref<!tpu.dma_semaphore, #tpu.memory_space<semaphore_mem>>) src(%dma_wait3A_68 : memref<32xi32, #tpu.memory_space<hbm>>) dst(%arg6 : memref<32xi32, #tpu.memory_space<vmem>>)
      tpu.yield
    }) : () -> ()
    %dma_start3A_9 = arith.constant 0 : i32
    %dma_start3A_10 = arith.constant 0 : i32
    %dma_start3A_11 = tpu.memref_slice %arg2[%dma_start3A_9, %dma_start3A_10] : memref<6144x1024xf32, #tpu.memory_space<hbm>> -> memref<6144x1024xf32, #tpu.memory_space<hbm>>
    tpu.enqueue_indirect_dma source(%dma_start3A_11 : memref<6144x1024xf32, #tpu.memory_space<hbm>>) target(%arg8 : memref<32x1024xf32, #tpu.memory_space<vmem>>) offsets(%arg6 : memref<32xi32, #tpu.memory_space<vmem>>) semaphore(%arg10 : memref<!tpu.dma_semaphore, #tpu.memory_space<semaphore_mem>>)
    %dma_wait3A = arith.constant 0 : i32
    %dma_wait3A_12 = arith.constant 0 : i32
    %dma_wait3A_13 = tpu.memref_slice %arg2[%dma_wait3A, %dma_wait3A_12] : memref<6144x1024xf32, #tpu.memory_space<hbm>> -> memref<6144x1024xf32, #tpu.memory_space<hbm>>
    tpu.wait_indirect_dma semaphore(%arg9 : memref<!tpu.dma_semaphore, #tpu.memory_space<semaphore_mem>>) src(%dma_wait3A_13 : memref<6144x1024xf32, #tpu.memory_space<hbm>>) dst(%arg7 : memref<32x1024xf32, #tpu.memory_space<vmem>>)
    %add3A_14 = arith.constant 0 : i32
    %add3A_15 = arith.addi %mul3A_2, %add3A_14 : i32
    %dma_start3A_16 = arith.constant 0 : i32
    %dma_start3A_17 = tpu.memref_slice %arg4[%add3A_15, %dma_start3A_16] : memref<4096x1024xf32, #tpu.memory_space<hbm>> -> memref<32x1024xf32, #tpu.memory_space<hbm>>
    %dma_start3A_18 = arith.constant 0 : i32
    %dma_start3A_19 = tpu.memref_slice %arg4[%add3A_15, %dma_start3A_18] : memref<4096x1024xf32, #tpu.memory_space<hbm>> -> memref<32x1024xf32, #tpu.memory_space<hbm>>
    tpu.enqueue_dma source(%arg7 : memref<32x1024xf32, #tpu.memory_space<vmem>>) target(%dma_start3A_19 : memref<32x1024xf32, #tpu.memory_space<hbm>>) target_semaphore(%arg11 : memref<!tpu.dma_semaphore, #tpu.memory_space<semaphore_mem>>)
    %dma_wait3A_20 = arith.constant 0 : i32
    %dma_wait3A_21 = tpu.memref_slice %arg4[%add3A_15, %dma_wait3A_20] : memref<4096x1024xf32, #tpu.memory_space<hbm>> -> memref<32x1024xf32, #tpu.memory_space<hbm>>
    %dma_wait3A_22 = arith.constant 0 : i32
    %dma_wait3A_23 = tpu.memref_slice %arg4[%add3A_15, %dma_wait3A_22] : memref<4096x1024xf32, #tpu.memory_space<hbm>> -> memref<32x1024xf32, #tpu.memory_space<hbm>>
    tpu.wait_dma2 semaphore(%arg11 : memref<!tpu.dma_semaphore, #tpu.memory_space<semaphore_mem>>) src(%arg7 : memref<32x1024xf32, #tpu.memory_space<vmem>>) dst(%dma_wait3A_23 : memref<32x1024xf32, #tpu.memory_space<hbm>>)
    %add3A_24 = arith.constant 64 : i32
    %add3A_25 = arith.addi %mul3A_2, %add3A_24 : i32
    "tpu.region"() ({
      %run_scoped3A = tpu.sem_alloc : memref<!tpu.dma_semaphore, #tpu.memory_space<semaphore_mem>>
      %dma_start3A_65 = tpu.memref_slice %arg3[%add3A_25] : memref<4096xi32, #tpu.memory_space<hbm>> -> memref<32xi32, #tpu.memory_space<hbm>>
      %dma_start3A_66 = tpu.memref_slice %arg3[%add3A_25] : memref<4096xi32, #tpu.memory_space<hbm>> -> memref<32xi32, #tpu.memory_space<hbm>>
      tpu.enqueue_dma source(%dma_start3A_66 : memref<32xi32, #tpu.memory_space<hbm>>) target(%arg5 : memref<32xi32, #tpu.memory_space<vmem>>) target_semaphore(%run_scoped3A : memref<!tpu.dma_semaphore, #tpu.memory_space<semaphore_mem>>)
      %dma_wait3A_67 = tpu.memref_slice %arg3[%add3A_25] : memref<4096xi32, #tpu.memory_space<hbm>> -> memref<32xi32, #tpu.memory_space<hbm>>
      %dma_wait3A_68 = tpu.memref_slice %arg3[%add3A_25] : memref<4096xi32, #tpu.memory_space<hbm>> -> memref<32xi32, #tpu.memory_space<hbm>>
      tpu.wait_dma2 semaphore(%run_scoped3A : memref<!tpu.dma_semaphore, #tpu.memory_space<semaphore_mem>>) src(%dma_wait3A_68 : memref<32xi32, #tpu.memory_space<hbm>>) dst(%arg5 : memref<32xi32, #tpu.memory_space<vmem>>)
      tpu.yield
    }) : () -> ()
    %dma_start3A_26 = arith.constant 0 : i32
    %dma_start3A_27 = arith.constant 0 : i32
    %dma_start3A_28 = tpu.memref_slice %arg2[%dma_start3A_26, %dma_start3A_27] : memref<6144x1024xf32, #tpu.memory_space<hbm>> -> memref<6144x1024xf32, #tpu.memory_space<hbm>>
    tpu.enqueue_indirect_dma source(%dma_start3A_28 : memref<6144x1024xf32, #tpu.memory_space<hbm>>) target(%arg7 : memref<32x1024xf32, #tpu.memory_space<vmem>>) offsets(%arg5 : memref<32xi32, #tpu.memory_space<vmem>>) semaphore(%arg9 : memref<!tpu.dma_semaphore, #tpu.memory_space<semaphore_mem>>)
    %dma_wait3A_29 = arith.constant 0 : i32
    %dma_wait3A_30 = arith.constant 0 : i32
    %dma_wait3A_31 = tpu.memref_slice %arg2[%dma_wait3A_29, %dma_wait3A_30] : memref<6144x1024xf32, #tpu.memory_space<hbm>> -> memref<6144x1024xf32, #tpu.memory_space<hbm>>
    tpu.wait_indirect_dma semaphore(%arg10 : memref<!tpu.dma_semaphore, #tpu.memory_space<semaphore_mem>>) src(%dma_wait3A_31 : memref<6144x1024xf32, #tpu.memory_space<hbm>>) dst(%arg8 : memref<32x1024xf32, #tpu.memory_space<vmem>>)
    %add3A_32 = arith.constant 32 : i32
    %add3A_33 = arith.addi %mul3A_2, %add3A_32 : i32
    %dma_start3A_34 = arith.constant 0 : i32
    %dma_start3A_35 = tpu.memref_slice %arg4[%add3A_33, %dma_start3A_34] : memref<4096x1024xf32, #tpu.memory_space<hbm>> -> memref<32x1024xf32, #tpu.memory_space<hbm>>
    %dma_start3A_36 = arith.constant 0 : i32
    %dma_start3A_37 = tpu.memref_slice %arg4[%add3A_33, %dma_start3A_36] : memref<4096x1024xf32, #tpu.memory_space<hbm>> -> memref<32x1024xf32, #tpu.memory_space<hbm>>
    tpu.enqueue_dma source(%arg8 : memref<32x1024xf32, #tpu.memory_space<vmem>>) target(%dma_start3A_37 : memref<32x1024xf32, #tpu.memory_space<hbm>>) target_semaphore(%arg12 : memref<!tpu.dma_semaphore, #tpu.memory_space<semaphore_mem>>)
    %dma_wait3A_38 = arith.constant 0 : i32
    %dma_wait3A_39 = tpu.memref_slice %arg4[%add3A_33, %dma_wait3A_38] : memref<4096x1024xf32, #tpu.memory_space<hbm>> -> memref<32x1024xf32, #tpu.memory_space<hbm>>
    %dma_wait3A_40 = arith.constant 0 : i32
    %dma_wait3A_41 = tpu.memref_slice %arg4[%add3A_33, %dma_wait3A_40] : memref<4096x1024xf32, #tpu.memory_space<hbm>> -> memref<32x1024xf32, #tpu.memory_space<hbm>>
    tpu.wait_dma2 semaphore(%arg12 : memref<!tpu.dma_semaphore, #tpu.memory_space<semaphore_mem>>) src(%arg8 : memref<32x1024xf32, #tpu.memory_space<vmem>>) dst(%dma_wait3A_41 : memref<32x1024xf32, #tpu.memory_space<hbm>>)
    %add3A_42 = arith.constant 96 : i32
    %add3A_43 = arith.addi %mul3A_2, %add3A_42 : i32
    "tpu.region"() ({
      %run_scoped3A = tpu.sem_alloc : memref<!tpu.dma_semaphore, #tpu.memory_space<semaphore_mem>>
      %dma_start3A_65 = tpu.memref_slice %arg3[%add3A_43] : memref<4096xi32, #tpu.memory_space<hbm>> -> memref<32xi32, #tpu.memory_space<hbm>>
      %dma_start3A_66 = tpu.memref_slice %arg3[%add3A_43] : memref<4096xi32, #tpu.memory_space<hbm>> -> memref<32xi32, #tpu.memory_space<hbm>>
      tpu.enqueue_dma source(%dma_start3A_66 : memref<32xi32, #tpu.memory_space<hbm>>) target(%arg6 : memref<32xi32, #tpu.memory_space<vmem>>) target_semaphore(%run_scoped3A : memref<!tpu.dma_semaphore, #tpu.memory_space<semaphore_mem>>)
      %dma_wait3A_67 = tpu.memref_slice %arg3[%add3A_43] : memref<4096xi32, #tpu.memory_space<hbm>> -> memref<32xi32, #tpu.memory_space<hbm>>
      %dma_wait3A_68 = tpu.memref_slice %arg3[%add3A_43] : memref<4096xi32, #tpu.memory_space<hbm>> -> memref<32xi32, #tpu.memory_space<hbm>>
      tpu.wait_dma2 semaphore(%run_scoped3A : memref<!tpu.dma_semaphore, #tpu.memory_space<semaphore_mem>>) src(%dma_wait3A_68 : memref<32xi32, #tpu.memory_space<hbm>>) dst(%arg6 : memref<32xi32, #tpu.memory_space<vmem>>)
      tpu.yield
    }) : () -> ()
    %dma_start3A_44 = arith.constant 0 : i32
    %dma_start3A_45 = arith.constant 0 : i32
    %dma_start3A_46 = tpu.memref_slice %arg2[%dma_start3A_44, %dma_start3A_45] : memref<6144x1024xf32, #tpu.memory_space<hbm>> -> memref<6144x1024xf32, #tpu.memory_space<hbm>>
    tpu.enqueue_indirect_dma source(%dma_start3A_46 : memref<6144x1024xf32, #tpu.memory_space<hbm>>) target(%arg8 : memref<32x1024xf32, #tpu.memory_space<vmem>>) offsets(%arg6 : memref<32xi32, #tpu.memory_space<vmem>>) semaphore(%arg10 : memref<!tpu.dma_semaphore, #tpu.memory_space<semaphore_mem>>)
    %dma_wait3A_47 = arith.constant 0 : i32
    %dma_wait3A_48 = arith.constant 0 : i32
    %dma_wait3A_49 = tpu.memref_slice %arg2[%dma_wait3A_47, %dma_wait3A_48] : memref<6144x1024xf32, #tpu.memory_space<hbm>> -> memref<6144x1024xf32, #tpu.memory_space<hbm>>
    tpu.wait_indirect_dma semaphore(%arg9 : memref<!tpu.dma_semaphore, #tpu.memory_space<semaphore_mem>>) src(%dma_wait3A_49 : memref<6144x1024xf32, #tpu.memory_space<hbm>>) dst(%arg7 : memref<32x1024xf32, #tpu.memory_space<vmem>>)
    %add3A_50 = arith.constant 64 : i32
    %add3A_51 = arith.addi %mul3A_2, %add3A_50 : i32
    %dma_start3A_52 = arith.constant 0 : i32
    %dma_start3A_53 = tpu.memref_slice %arg4[%add3A_51, %dma_start3A_52] : memref<4096x1024xf32, #tpu.memory_space<hbm>> -> memref<32x1024xf32, #tpu.memory_space<hbm>>
    %dma_start3A_54 = arith.constant 0 : i32
    %dma_start3A_55 = tpu.memref_slice %arg4[%add3A_51, %dma_start3A_54] : memref<4096x1024xf32, #tpu.memory_space<hbm>> -> memref<32x1024xf32, #tpu.memory_space<hbm>>
    tpu.enqueue_dma source(%arg7 : memref<32x1024xf32, #tpu.memory_space<vmem>>) target(%dma_start3A_55 : memref<32x1024xf32, #tpu.memory_space<hbm>>) target_semaphore(%arg11 : memref<!tpu.dma_semaphore, #tpu.memory_space<semaphore_mem>>)
    %dma_wait3A_56 = arith.constant 0 : i32
    %dma_wait3A_57 = arith.constant 0 : i32
    %dma_wait3A_58 = tpu.memref_slice %arg2[%dma_wait3A_56, %dma_wait3A_57] : memref<6144x1024xf32, #tpu.memory_space<hbm>> -> memref<6144x1024xf32, #tpu.memory_space<hbm>>
    tpu.wait_indirect_dma semaphore(%arg10 : memref<!tpu.dma_semaphore, #tpu.memory_space<semaphore_mem>>) src(%dma_wait3A_58 : memref<6144x1024xf32, #tpu.memory_space<hbm>>) dst(%arg8 : memref<32x1024xf32, #tpu.memory_space<vmem>>)
    %add3A_59 = arith.constant 96 : i32
    %add3A_60 = arith.addi %mul3A_2, %add3A_59 : i32
    "tpu.region"() ({
      %run_scoped3A = tpu.sem_alloc : memref<!tpu.dma_semaphore, #tpu.memory_space<semaphore_mem>>
      %dma_start3A_65 = arith.constant 0 : i32
      %dma_start3A_66 = tpu.memref_slice %arg4[%add3A_60, %dma_start3A_65] : memref<4096x1024xf32, #tpu.memory_space<hbm>> -> memref<32x1024xf32, #tpu.memory_space<hbm>>
      %dma_start3A_67 = arith.constant 0 : i32
      %dma_start3A_68 = tpu.memref_slice %arg4[%add3A_60, %dma_start3A_67] : memref<4096x1024xf32, #tpu.memory_space<hbm>> -> memref<32x1024xf32, #tpu.memory_space<hbm>>
      tpu.enqueue_dma source(%arg8 : memref<32x1024xf32, #tpu.memory_space<vmem>>) target(%dma_start3A_68 : memref<32x1024xf32, #tpu.memory_space<hbm>>) target_semaphore(%run_scoped3A : memref<!tpu.dma_semaphore, #tpu.memory_space<semaphore_mem>>)
      %dma_wait3A_69 = arith.constant 0 : i32
      %dma_wait3A_70 = tpu.memref_slice %arg4[%add3A_60, %dma_wait3A_69] : memref<4096x1024xf32, #tpu.memory_space<hbm>> -> memref<32x1024xf32, #tpu.memory_space<hbm>>
      %dma_wait3A_71 = arith.constant 0 : i32
      %dma_wait3A_72 = tpu.memref_slice %arg4[%add3A_60, %dma_wait3A_71] : memref<4096x1024xf32, #tpu.memory_space<hbm>> -> memref<32x1024xf32, #tpu.memory_space<hbm>>
      tpu.wait_dma2 semaphore(%run_scoped3A : memref<!tpu.dma_semaphore, #tpu.memory_space<semaphore_mem>>) src(%arg8 : memref<32x1024xf32, #tpu.memory_space<vmem>>) dst(%dma_wait3A_72 : memref<32x1024xf32, #tpu.memory_space<hbm>>)
      tpu.yield
    }) : () -> ()
    %dma_wait3A_61 = arith.constant 0 : i32
    %dma_wait3A_62 = tpu.memref_slice %arg4[%add3A_51, %dma_wait3A_61] : memref<4096x1024xf32, #tpu.memory_space<hbm>> -> memref<32x1024xf32, #tpu.memory_space<hbm>>
    %dma_wait3A_63 = arith.constant 0 : i32
    %dma_wait3A_64 = tpu.memref_slice %arg4[%add3A_51, %dma_wait3A_63] : memref<4096x1024xf32, #tpu.memory_space<hbm>> -> memref<32x1024xf32, #tpu.memory_space<hbm>>
    tpu.wait_dma2 semaphore(%arg11 : memref<!tpu.dma_semaphore, #tpu.memory_space<semaphore_mem>>) src(%arg7 : memref<32x1024xf32, #tpu.memory_space<vmem>>) dst(%dma_wait3A_64 : memref<32x1024xf32, #tpu.memory_space<hbm>>)
    return
  }
}

module attributes {stable_mosaic.version = 14 : i64} {
  func.func @_router_body(%arg0: memref<2048x1024xf32, #tpu.memory_space<vmem>>, %arg1: memref<128x1024xf32, #tpu.memory_space<vmem>>, %arg2: memref<2048x128xf32, #tpu.memory_space<vmem>>, %arg3: memref<4096x1xi32, #tpu.memory_space<vmem>>, %arg4: memref<24x1xi32, #tpu.memory_space<vmem>>) attributes {dimension_semantics = [], scalar_prefetch = 0 : i64, scratch_operands = 0 : i64, tpu.core_type = #tpu.core_type<tc>} {
    %get3A = arith.constant 0 : index
    %get3A_0 = arith.constant 0 : index
    %get3A_1 = vector.load %arg0[%get3A, %get3A_0] : memref<2048x1024xf32, #tpu.memory_space<vmem>>, vector<2048x1024xf32>
    %get3A_2 = arith.constant 0 : index
    %get3A_3 = arith.constant 0 : index
    %get3A_4 = vector.load %arg1[%get3A_2, %get3A_3] : memref<128x1024xf32, #tpu.memory_space<vmem>>, vector<128x1024xf32>
    %dot_general3A = arith.constant dense<0.000000e+00> : vector<2048x128xf32>
    %dot_general3A_5 = tpu.matmul %get3A_1, %get3A_4, %dot_general3A {dimension_numbers = #tpu.dot_dimension_numbers<[1], [1], [0], [0], [0, 0, 1, 0], [], []>, transpose_lhs_hint = false} : vector<2048x1024xf32>, vector<128x1024xf32>, vector<2048x128xf32> -> vector<2048x128xf32>
    %iota3A = tpu.iota {dimensions = array<i32: 1>} : vector<2048x128xi32>
    %lt3A = arith.constant 8 : i32
    %lt3A_6 = vector.broadcast %lt3A : i32 to vector<2048x128xi32>
    %lt3A_7 = arith.cmpi slt, %iota3A, %lt3A_6 : vector<2048x128xi32>
    %jit3A = arith.constant -1.000000e+30 : f32
    %broadcast_in_dim3A = vector.broadcast %jit3A : f32 to vector<2048x128xf32>
    %select_n3A = arith.select %lt3A_7, %dot_general3A_5, %broadcast_in_dim3A : vector<2048x128xi1>, vector<2048x128xf32>
    %reduce_max3A = arith.constant dense<0xFF800000> : vector<2048xf32>
    %reduce_max3A_8 = vector.multi_reduction <maximumf>, %select_n3A, %reduce_max3A [1] : vector<2048x128xf32> to vector<2048xf32>
    %broadcast_in_dim3A_9 = vector.shape_cast %reduce_max3A_8 : vector<2048xf32> to vector<2048x1xf32>
    %eq3A = vector.broadcast %broadcast_in_dim3A_9 : vector<2048x1xf32> to vector<2048x128xf32>
    %eq3A_10 = arith.cmpf oeq, %select_n3A, %eq3A : vector<2048x128xf32>
    %jit3A_11 = arith.constant 128 : i32
    %broadcast_in_dim3A_12 = vector.broadcast %jit3A_11 : i32 to vector<2048x128xi32>
    %select_n3A_13 = arith.select %eq3A_10, %iota3A, %broadcast_in_dim3A_12 : vector<2048x128xi1>, vector<2048x128xi32>
    %reduce_min3A = arith.constant dense<2147483647> : vector<2048xi32>
    %reduce_min3A_14 = vector.multi_reduction <minsi>, %select_n3A_13, %reduce_min3A [1] : vector<2048x128xi32> to vector<2048xi32>
    %broadcast_in_dim3A_15 = vector.shape_cast %reduce_min3A_14 : vector<2048xi32> to vector<2048x1xi32>
    %eq3A_16 = vector.broadcast %broadcast_in_dim3A_15 : vector<2048x1xi32> to vector<2048x128xi32>
    %eq3A_17 = arith.cmpi eq, %iota3A, %eq3A_16 : vector<2048x128xi32>
    %jit3A_18 = arith.constant -1.000000e+30 : f32
    %broadcast_in_dim3A_19 = vector.broadcast %jit3A_18 : f32 to vector<2048x128xf32>
    %select_n3A_20 = arith.select %eq3A_17, %broadcast_in_dim3A_19, %select_n3A : vector<2048x128xi1>, vector<2048x128xf32>
    %reduce_max3A_21 = arith.constant dense<0xFF800000> : vector<2048xf32>
    %reduce_max3A_22 = vector.multi_reduction <maximumf>, %select_n3A_20, %reduce_max3A_21 [1] : vector<2048x128xf32> to vector<2048xf32>
    %broadcast_in_dim3A_23 = vector.shape_cast %reduce_max3A_22 : vector<2048xf32> to vector<2048x1xf32>
    %eq3A_24 = vector.broadcast %broadcast_in_dim3A_23 : vector<2048x1xf32> to vector<2048x128xf32>
    %eq3A_25 = arith.cmpf oeq, %select_n3A_20, %eq3A_24 : vector<2048x128xf32>
    %jit3A_26 = arith.constant 128 : i32
    %broadcast_in_dim3A_27 = vector.broadcast %jit3A_26 : i32 to vector<2048x128xi32>
    %select_n3A_28 = arith.select %eq3A_25, %iota3A, %broadcast_in_dim3A_27 : vector<2048x128xi1>, vector<2048x128xi32>
    %reduce_min3A_29 = arith.constant dense<2147483647> : vector<2048xi32>
    %reduce_min3A_30 = vector.multi_reduction <minsi>, %select_n3A_28, %reduce_min3A_29 [1] : vector<2048x128xi32> to vector<2048xi32>
    %broadcast_in_dim3A_31 = vector.shape_cast %reduce_min3A_30 : vector<2048xi32> to vector<2048x1xi32>
    %sub3A = arith.subf %broadcast_in_dim3A_23, %broadcast_in_dim3A_9 : vector<2048x1xf32>
    %exp3A = math.exp %sub3A : vector<2048x1xf32>
    %add3A = arith.constant 1.000000e+00 : f32
    %add3A_32 = vector.broadcast %add3A : f32 to vector<2048x1xf32>
    %add3A_33 = arith.addf %add3A_32, %exp3A : vector<2048x1xf32>
    %div3A = arith.constant 1.000000e+00 : f32
    %div3A_34 = vector.broadcast %div3A : f32 to vector<2048x1xf32>
    %div3A_35 = arith.divf %div3A_34, %add3A_33 : vector<2048x1xf32>
    %sub3A_36 = arith.constant 1.000000e+00 : f32
    %sub3A_37 = vector.broadcast %sub3A_36 : f32 to vector<2048x1xf32>
    %sub3A_38 = arith.subf %sub3A_37, %div3A_35 : vector<2048x1xf32>
    %eq3A_39 = arith.constant 0 : i32
    %eq3A_40 = vector.broadcast %eq3A_39 : i32 to vector<2048x128xi32>
    %eq3A_41 = arith.cmpi eq, %iota3A, %eq3A_40 : vector<2048x128xi32>
    %convert_element_type3A = arith.sitofp %broadcast_in_dim3A_15 : vector<2048x1xi32> to vector<2048x1xf32>
    %jit3A_42 = arith.constant 0.000000e+00 : f32
    %broadcast_in_dim3A_43 = vector.shape_cast %convert_element_type3A : vector<2048x1xf32> to vector<2048x1xf32>
    %broadcast_in_dim3A_44 = vector.broadcast %broadcast_in_dim3A_43 : vector<2048x1xf32> to vector<2048x128xf32>
    %broadcast_in_dim3A_45 = vector.broadcast %jit3A_42 : f32 to vector<2048x128xf32>
    %select_n3A_46 = arith.select %eq3A_41, %broadcast_in_dim3A_44, %broadcast_in_dim3A_45 : vector<2048x128xi1>, vector<2048x128xf32>
    %eq3A_47 = arith.constant 1 : i32
    %eq3A_48 = vector.broadcast %eq3A_47 : i32 to vector<2048x128xi32>
    %eq3A_49 = arith.cmpi eq, %iota3A, %eq3A_48 : vector<2048x128xi32>
    %convert_element_type3A_50 = arith.sitofp %broadcast_in_dim3A_31 : vector<2048x1xi32> to vector<2048x1xf32>
    %jit3A_51 = arith.constant 0.000000e+00 : f32
    %broadcast_in_dim3A_52 = vector.shape_cast %convert_element_type3A_50 : vector<2048x1xf32> to vector<2048x1xf32>
    %broadcast_in_dim3A_53 = vector.broadcast %broadcast_in_dim3A_52 : vector<2048x1xf32> to vector<2048x128xf32>
    %broadcast_in_dim3A_54 = vector.broadcast %jit3A_51 : f32 to vector<2048x128xf32>
    %select_n3A_55 = arith.select %eq3A_49, %broadcast_in_dim3A_53, %broadcast_in_dim3A_54 : vector<2048x128xi1>, vector<2048x128xf32>
    %add3A_56 = arith.addf %select_n3A_46, %select_n3A_55 : vector<2048x128xf32>
    %eq3A_57 = arith.constant 2 : i32
    %eq3A_58 = vector.broadcast %eq3A_57 : i32 to vector<2048x128xi32>
    %eq3A_59 = arith.cmpi eq, %iota3A, %eq3A_58 : vector<2048x128xi32>
    %jit3A_60 = arith.constant 0.000000e+00 : f32
    %broadcast_in_dim3A_61 = vector.shape_cast %div3A_35 : vector<2048x1xf32> to vector<2048x1xf32>
    %broadcast_in_dim3A_62 = vector.broadcast %broadcast_in_dim3A_61 : vector<2048x1xf32> to vector<2048x128xf32>
    %broadcast_in_dim3A_63 = vector.broadcast %jit3A_60 : f32 to vector<2048x128xf32>
    %select_n3A_64 = arith.select %eq3A_59, %broadcast_in_dim3A_62, %broadcast_in_dim3A_63 : vector<2048x128xi1>, vector<2048x128xf32>
    %add3A_65 = arith.addf %add3A_56, %select_n3A_64 : vector<2048x128xf32>
    %eq3A_66 = arith.constant 3 : i32
    %eq3A_67 = vector.broadcast %eq3A_66 : i32 to vector<2048x128xi32>
    %eq3A_68 = arith.cmpi eq, %iota3A, %eq3A_67 : vector<2048x128xi32>
    %jit3A_69 = arith.constant 0.000000e+00 : f32
    %broadcast_in_dim3A_70 = vector.shape_cast %sub3A_38 : vector<2048x1xf32> to vector<2048x1xf32>
    %broadcast_in_dim3A_71 = vector.broadcast %broadcast_in_dim3A_70 : vector<2048x1xf32> to vector<2048x128xf32>
    %broadcast_in_dim3A_72 = vector.broadcast %jit3A_69 : f32 to vector<2048x128xf32>
    %select_n3A_73 = arith.select %eq3A_68, %broadcast_in_dim3A_71, %broadcast_in_dim3A_72 : vector<2048x128xi1>, vector<2048x128xf32>
    %add3A_74 = arith.addf %add3A_65, %select_n3A_73 : vector<2048x128xf32>
    %swap3A = arith.constant 0 : index
    %swap3A_75 = arith.constant 0 : index
    %swap3A_76 = vector.load %arg2[%swap3A, %swap3A_75] : memref<2048x128xf32, #tpu.memory_space<vmem>>, vector<2048x128xf32>
    tpu.vector_store %arg2[%swap3A, %swap3A_75], %add3A_74 {strides = array<i32>} : memref<2048x128xf32, #tpu.memory_space<vmem>>, vector<2048x128xf32>,
    %concatenate3A = tpu.concatenate %broadcast_in_dim3A_15, %broadcast_in_dim3A_31 in 0 : vector<2048x1xi32>, vector<2048x1xi32> -> vector<4096x1xi32>
    %iota3A_77 = tpu.iota {dimensions = array<i32: 1>} : vector<4096x128xi32>
    %eq3A_78 = vector.broadcast %concatenate3A : vector<4096x1xi32> to vector<4096x128xi32>
    %eq3A_79 = arith.cmpi eq, %iota3A_77, %eq3A_78 : vector<4096x128xi32>
    %jit3A_80 = arith.constant 1.000000e+00 : f32
    %jit3A_81 = arith.constant 0.000000e+00 : f32
    %broadcast_in_dim3A_82 = vector.broadcast %jit3A_80 : f32 to vector<4096x128xf32>
    %broadcast_in_dim3A_83 = vector.broadcast %jit3A_81 : f32 to vector<4096x128xf32>
    %select_n3A_84 = arith.select %eq3A_79, %broadcast_in_dim3A_82, %broadcast_in_dim3A_83 : vector<4096x128xi1>, vector<4096x128xf32>
    %iota3A_85 = tpu.iota {dimensions = array<i32: 0>} : vector<512x512xi32>
    %iota3A_86 = tpu.iota {dimensions = array<i32: 1>} : vector<512x512xi32>
    %ge3A = arith.cmpi sge, %iota3A_85, %iota3A_86 : vector<512x512xi32>
    %jit3A_87 = arith.constant 1.000000e+00 : f32
    %jit3A_88 = arith.constant 0.000000e+00 : f32
    %broadcast_in_dim3A_89 = vector.broadcast %jit3A_87 : f32 to vector<512x512xf32>
    %broadcast_in_dim3A_90 = vector.broadcast %jit3A_88 : f32 to vector<512x512xf32>
    %select_n3A_91 = arith.select %ge3A, %broadcast_in_dim3A_89, %broadcast_in_dim3A_90 : vector<512x512xi1>, vector<512x512xf32>
    %broadcast_in_dim3A_92 = arith.constant 0.000000e+00 : f32
    %broadcast_in_dim3A_93 = vector.broadcast %broadcast_in_dim3A_92 : f32 to vector<1x128xf32>
    %slice3A = vector.extract_strided_slice %select_n3A_84 {offsets = [0, 0], sizes = [512, 128], strides = [1, 1]} : vector<4096x128xf32> to vector<512x128xf32>
    %dot_general3A_94 = arith.constant dense<0.000000e+00> : vector<512x128xf32>
    %dot_general3A_95 = tpu.matmul %select_n3A_91, %slice3A, %dot_general3A_94 {dimension_numbers = #tpu.dot_dimension_numbers<[1], [0], [0], [1], [0, 0, 1, 1], [], []>, transpose_lhs_hint = false} : vector<512x512xf32>, vector<512x128xf32>, vector<512x128xf32> -> vector<512x128xf32>
    %add3A_96 = vector.broadcast %broadcast_in_dim3A_93 : vector<1x128xf32> to vector<512x128xf32>
    %add3A_97 = arith.addf %dot_general3A_95, %add3A_96 : vector<512x128xf32>
    %reduce_sum3A = arith.constant dense<0.000000e+00> : vector<128xf32>
    %reduce_sum3A_98 = vector.multi_reduction <add>, %slice3A, %reduce_sum3A [0] : vector<512x128xf32> to vector<128xf32>
    %broadcast_in_dim3A_99 = vector.shape_cast %reduce_sum3A_98 : vector<128xf32> to vector<1x128xf32>
    %add3A_100 = arith.addf %broadcast_in_dim3A_93, %broadcast_in_dim3A_99 : vector<1x128xf32>
    %slice3A_101 = vector.extract_strided_slice %select_n3A_84 {offsets = [512, 0], sizes = [512, 128], strides = [1, 1]} : vector<4096x128xf32> to vector<512x128xf32>
    %dot_general3A_102 = arith.constant dense<0.000000e+00> : vector<512x128xf32>
    %dot_general3A_103 = tpu.matmul %select_n3A_91, %slice3A_101, %dot_general3A_102 {dimension_numbers = #tpu.dot_dimension_numbers<[1], [0], [0], [1], [0, 0, 1, 1], [], []>, transpose_lhs_hint = false} : vector<512x512xf32>, vector<512x128xf32>, vector<512x128xf32> -> vector<512x128xf32>
    %add3A_104 = vector.broadcast %add3A_100 : vector<1x128xf32> to vector<512x128xf32>
    %add3A_105 = arith.addf %dot_general3A_103, %add3A_104 : vector<512x128xf32>
    %reduce_sum3A_106 = arith.constant dense<0.000000e+00> : vector<128xf32>
    %reduce_sum3A_107 = vector.multi_reduction <add>, %slice3A_101, %reduce_sum3A_106 [0] : vector<512x128xf32> to vector<128xf32>
    %broadcast_in_dim3A_108 = vector.shape_cast %reduce_sum3A_107 : vector<128xf32> to vector<1x128xf32>
    %add3A_109 = arith.addf %add3A_100, %broadcast_in_dim3A_108 : vector<1x128xf32>
    %slice3A_110 = vector.extract_strided_slice %select_n3A_84 {offsets = [1024, 0], sizes = [512, 128], strides = [1, 1]} : vector<4096x128xf32> to vector<512x128xf32>
    %dot_general3A_111 = arith.constant dense<0.000000e+00> : vector<512x128xf32>
    %dot_general3A_112 = tpu.matmul %select_n3A_91, %slice3A_110, %dot_general3A_111 {dimension_numbers = #tpu.dot_dimension_numbers<[1], [0], [0], [1], [0, 0, 1, 1], [], []>, transpose_lhs_hint = false} : vector<512x512xf32>, vector<512x128xf32>, vector<512x128xf32> -> vector<512x128xf32>
    %add3A_113 = vector.broadcast %add3A_109 : vector<1x128xf32> to vector<512x128xf32>
    %add3A_114 = arith.addf %dot_general3A_112, %add3A_113 : vector<512x128xf32>
    %reduce_sum3A_115 = arith.constant dense<0.000000e+00> : vector<128xf32>
    %reduce_sum3A_116 = vector.multi_reduction <add>, %slice3A_110, %reduce_sum3A_115 [0] : vector<512x128xf32> to vector<128xf32>
    %broadcast_in_dim3A_117 = vector.shape_cast %reduce_sum3A_116 : vector<128xf32> to vector<1x128xf32>
    %add3A_118 = arith.addf %add3A_109, %broadcast_in_dim3A_117 : vector<1x128xf32>
    %slice3A_119 = vector.extract_strided_slice %select_n3A_84 {offsets = [1536, 0], sizes = [512, 128], strides = [1, 1]} : vector<4096x128xf32> to vector<512x128xf32>
    %dot_general3A_120 = arith.constant dense<0.000000e+00> : vector<512x128xf32>
    %dot_general3A_121 = tpu.matmul %select_n3A_91, %slice3A_119, %dot_general3A_120 {dimension_numbers = #tpu.dot_dimension_numbers<[1], [0], [0], [1], [0, 0, 1, 1], [], []>, transpose_lhs_hint = false} : vector<512x512xf32>, vector<512x128xf32>, vector<512x128xf32> -> vector<512x128xf32>
    %add3A_122 = vector.broadcast %add3A_118 : vector<1x128xf32> to vector<512x128xf32>
    %add3A_123 = arith.addf %dot_general3A_121, %add3A_122 : vector<512x128xf32>
    %reduce_sum3A_124 = arith.constant dense<0.000000e+00> : vector<128xf32>
    %reduce_sum3A_125 = vector.multi_reduction <add>, %slice3A_119, %reduce_sum3A_124 [0] : vector<512x128xf32> to vector<128xf32>
    %broadcast_in_dim3A_126 = vector.shape_cast %reduce_sum3A_125 : vector<128xf32> to vector<1x128xf32>
    %add3A_127 = arith.addf %add3A_118, %broadcast_in_dim3A_126 : vector<1x128xf32>
    %slice3A_128 = vector.extract_strided_slice %select_n3A_84 {offsets = [2048, 0], sizes = [512, 128], strides = [1, 1]} : vector<4096x128xf32> to vector<512x128xf32>
    %dot_general3A_129 = arith.constant dense<0.000000e+00> : vector<512x128xf32>
    %dot_general3A_130 = tpu.matmul %select_n3A_91, %slice3A_128, %dot_general3A_129 {dimension_numbers = #tpu.dot_dimension_numbers<[1], [0], [0], [1], [0, 0, 1, 1], [], []>, transpose_lhs_hint = false} : vector<512x512xf32>, vector<512x128xf32>, vector<512x128xf32> -> vector<512x128xf32>
    %add3A_131 = vector.broadcast %add3A_127 : vector<1x128xf32> to vector<512x128xf32>
    %add3A_132 = arith.addf %dot_general3A_130, %add3A_131 : vector<512x128xf32>
    %reduce_sum3A_133 = arith.constant dense<0.000000e+00> : vector<128xf32>
    %reduce_sum3A_134 = vector.multi_reduction <add>, %slice3A_128, %reduce_sum3A_133 [0] : vector<512x128xf32> to vector<128xf32>
    %broadcast_in_dim3A_135 = vector.shape_cast %reduce_sum3A_134 : vector<128xf32> to vector<1x128xf32>
    %add3A_136 = arith.addf %add3A_127, %broadcast_in_dim3A_135 : vector<1x128xf32>
    %slice3A_137 = vector.extract_strided_slice %select_n3A_84 {offsets = [2560, 0], sizes = [512, 128], strides = [1, 1]} : vector<4096x128xf32> to vector<512x128xf32>
    %dot_general3A_138 = arith.constant dense<0.000000e+00> : vector<512x128xf32>
    %dot_general3A_139 = tpu.matmul %select_n3A_91, %slice3A_137, %dot_general3A_138 {dimension_numbers = #tpu.dot_dimension_numbers<[1], [0], [0], [1], [0, 0, 1, 1], [], []>, transpose_lhs_hint = false} : vector<512x512xf32>, vector<512x128xf32>, vector<512x128xf32> -> vector<512x128xf32>
    %add3A_140 = vector.broadcast %add3A_136 : vector<1x128xf32> to vector<512x128xf32>
    %add3A_141 = arith.addf %dot_general3A_139, %add3A_140 : vector<512x128xf32>
    %reduce_sum3A_142 = arith.constant dense<0.000000e+00> : vector<128xf32>
    %reduce_sum3A_143 = vector.multi_reduction <add>, %slice3A_137, %reduce_sum3A_142 [0] : vector<512x128xf32> to vector<128xf32>
    %broadcast_in_dim3A_144 = vector.shape_cast %reduce_sum3A_143 : vector<128xf32> to vector<1x128xf32>
    %add3A_145 = arith.addf %add3A_136, %broadcast_in_dim3A_144 : vector<1x128xf32>
    %slice3A_146 = vector.extract_strided_slice %select_n3A_84 {offsets = [3072, 0], sizes = [512, 128], strides = [1, 1]} : vector<4096x128xf32> to vector<512x128xf32>
    %dot_general3A_147 = arith.constant dense<0.000000e+00> : vector<512x128xf32>
    %dot_general3A_148 = tpu.matmul %select_n3A_91, %slice3A_146, %dot_general3A_147 {dimension_numbers = #tpu.dot_dimension_numbers<[1], [0], [0], [1], [0, 0, 1, 1], [], []>, transpose_lhs_hint = false} : vector<512x512xf32>, vector<512x128xf32>, vector<512x128xf32> -> vector<512x128xf32>
    %add3A_149 = vector.broadcast %add3A_145 : vector<1x128xf32> to vector<512x128xf32>
    %add3A_150 = arith.addf %dot_general3A_148, %add3A_149 : vector<512x128xf32>
    %reduce_sum3A_151 = arith.constant dense<0.000000e+00> : vector<128xf32>
    %reduce_sum3A_152 = vector.multi_reduction <add>, %slice3A_146, %reduce_sum3A_151 [0] : vector<512x128xf32> to vector<128xf32>
    %broadcast_in_dim3A_153 = vector.shape_cast %reduce_sum3A_152 : vector<128xf32> to vector<1x128xf32>
    %add3A_154 = arith.addf %add3A_145, %broadcast_in_dim3A_153 : vector<1x128xf32>
    %slice3A_155 = vector.extract_strided_slice %select_n3A_84 {offsets = [3584, 0], sizes = [512, 128], strides = [1, 1]} : vector<4096x128xf32> to vector<512x128xf32>
    %dot_general3A_156 = arith.constant dense<0.000000e+00> : vector<512x128xf32>
    %dot_general3A_157 = tpu.matmul %select_n3A_91, %slice3A_155, %dot_general3A_156 {dimension_numbers = #tpu.dot_dimension_numbers<[1], [0], [0], [1], [0, 0, 1, 1], [], []>, transpose_lhs_hint = false} : vector<512x512xf32>, vector<512x128xf32>, vector<512x128xf32> -> vector<512x128xf32>
    %add3A_158 = vector.broadcast %add3A_154 : vector<1x128xf32> to vector<512x128xf32>
    %add3A_159 = arith.addf %dot_general3A_157, %add3A_158 : vector<512x128xf32>
    %reduce_sum3A_160 = arith.constant dense<0.000000e+00> : vector<128xf32>
    %reduce_sum3A_161 = vector.multi_reduction <add>, %slice3A_155, %reduce_sum3A_160 [0] : vector<512x128xf32> to vector<128xf32>
    %broadcast_in_dim3A_162 = vector.shape_cast %reduce_sum3A_161 : vector<128xf32> to vector<1x128xf32>
    %add3A_163 = arith.addf %add3A_154, %broadcast_in_dim3A_162 : vector<1x128xf32>
    %concatenate3A_164 = tpu.concatenate %add3A_97, %add3A_105, %add3A_114, %add3A_123, %add3A_132, %add3A_141, %add3A_150, %add3A_159 in 0 : vector<512x128xf32>, vector<512x128xf32>, vector<512x128xf32>, vector<512x128xf32>, vector<512x128xf32>, vector<512x128xf32>, vector<512x128xf32>, vector<512x128xf32> -> vector<4096x128xf32>
    %eq3A_165 = vector.broadcast %concatenate3A : vector<4096x1xi32> to vector<4096x128xi32>
    %eq3A_166 = arith.cmpi eq, %iota3A_77, %eq3A_165 : vector<4096x128xi32>
    %jit3A_167 = arith.constant 0.000000e+00 : f32
    %broadcast_in_dim3A_168 = vector.broadcast %jit3A_167 : f32 to vector<4096x128xf32>
    %select_n3A_169 = arith.select %eq3A_166, %concatenate3A_164, %broadcast_in_dim3A_168 : vector<4096x128xi1>, vector<4096x128xf32>
    %reduce_sum3A_170 = arith.constant dense<0.000000e+00> : vector<4096xf32>
    %reduce_sum3A_171 = vector.multi_reduction <add>, %select_n3A_169, %reduce_sum3A_170 [1] : vector<4096x128xf32> to vector<4096xf32>
    %broadcast_in_dim3A_172 = vector.shape_cast %reduce_sum3A_171 : vector<4096xf32> to vector<4096x1xf32>
    %sub3A_173 = arith.constant 1.000000e+00 : f32
    %sub3A_174 = vector.broadcast %sub3A_173 : f32 to vector<4096x1xf32>
    %sub3A_175 = arith.subf %broadcast_in_dim3A_172, %sub3A_174 : vector<4096x1xf32>
    %add3A_176 = arith.constant 2.550000e+02 : f32
    %add3A_177 = vector.broadcast %add3A_176 : f32 to vector<1x128xf32>
    %add3A_178 = arith.addf %add3A_163, %add3A_177 : vector<1x128xf32>
    %div3A_179 = arith.constant 2.560000e+02 : f32
    %div3A_180 = vector.broadcast %div3A_179 : f32 to vector<1x128xf32>
    %div3A_181 = arith.divf %add3A_178, %div3A_180 : vector<1x128xf32>
    %floor3A = math.floor %div3A_181 : vector<1x128xf32>
    %mul3A = arith.constant 2.560000e+02 : f32
    %mul3A_182 = vector.broadcast %mul3A : f32 to vector<1x128xf32>
    %mul3A_183 = arith.mulf %floor3A, %mul3A_182 : vector<1x128xf32>
    %iota3A_184 = tpu.iota {dimensions = array<i32: 0>} : vector<128x128xi32>
    %iota3A_185 = tpu.iota {dimensions = array<i32: 1>} : vector<128x128xi32>
    %le3A = arith.cmpi sle, %iota3A_184, %iota3A_185 : vector<128x128xi32>
    %lt3A_186 = arith.constant 8 : i32
    %lt3A_187 = vector.broadcast %lt3A_186 : i32 to vector<128x128xi32>
    %lt3A_188 = arith.cmpi slt, %iota3A_184, %lt3A_187 : vector<128x128xi32>
    %and3A = arith.andi %le3A, %lt3A_188 : vector<128x128xi1>
    %jit3A_189 = arith.constant 1.000000e+00 : f32
    %jit3A_190 = arith.constant 0.000000e+00 : f32
    %broadcast_in_dim3A_191 = vector.broadcast %jit3A_189 : f32 to vector<128x128xf32>
    %broadcast_in_dim3A_192 = vector.broadcast %jit3A_190 : f32 to vector<128x128xf32>
    %select_n3A_193 = arith.select %and3A, %broadcast_in_dim3A_191, %broadcast_in_dim3A_192 : vector<128x128xi1>, vector<128x128xf32>
    %dot_general3A_194 = arith.constant dense<0.000000e+00> : vector<1x128xf32>
    %dot_general3A_195 = tpu.matmul %mul3A_183, %select_n3A_193, %dot_general3A_194 {dimension_numbers = #tpu.dot_dimension_numbers<[1], [0], [0], [1], [0, 0, 1, 1], [], []>, transpose_lhs_hint = false} : vector<1x128xf32>, vector<128x128xf32>, vector<1x128xf32> -> vector<1x128xf32>
    %sub3A_196 = arith.subf %dot_general3A_195, %mul3A_183 : vector<1x128xf32>
    %eq3A_197 = vector.broadcast %concatenate3A : vector<4096x1xi32> to vector<4096x128xi32>
    %eq3A_198 = arith.cmpi eq, %iota3A_77, %eq3A_197 : vector<4096x128xi32>
    %jit3A_199 = arith.constant 0.000000e+00 : f32
    %broadcast_in_dim3A_200 = vector.shape_cast %sub3A_196 : vector<1x128xf32> to vector<1x128xf32>
    %broadcast_in_dim3A_201 = vector.broadcast %broadcast_in_dim3A_200 : vector<1x128xf32> to vector<4096x128xf32>
    %broadcast_in_dim3A_202 = vector.broadcast %jit3A_199 : f32 to vector<4096x128xf32>
    %select_n3A_203 = arith.select %eq3A_198, %broadcast_in_dim3A_201, %broadcast_in_dim3A_202 : vector<4096x128xi1>, vector<4096x128xf32>
    %reduce_sum3A_204 = arith.constant dense<0.000000e+00> : vector<4096xf32>
    %reduce_sum3A_205 = vector.multi_reduction <add>, %select_n3A_203, %reduce_sum3A_204 [1] : vector<4096x128xf32> to vector<4096xf32>
    %broadcast_in_dim3A_206 = vector.shape_cast %reduce_sum3A_205 : vector<4096xf32> to vector<4096x1xf32>
    %add3A_207 = arith.addf %broadcast_in_dim3A_206, %sub3A_175 : vector<4096x1xf32>
    %convert_element_type3A_208 = arith.fptosi %add3A_207 : vector<4096x1xf32> to vector<4096x1xi32>
    %swap3A_209 = arith.constant 0 : index
    %swap3A_210 = arith.constant 0 : index
    %swap3A_211 = vector.load %arg3[%swap3A_209, %swap3A_210] : memref<4096x1xi32, #tpu.memory_space<vmem>>, vector<4096x1xi32>
    tpu.vector_store %arg3[%swap3A_209, %swap3A_210], %convert_element_type3A_208 {strides = array<i32>} : memref<4096x1xi32, #tpu.memory_space<vmem>>, vector<4096x1xi32>,
    %iota3A_212 = tpu.iota {dimensions = array<i32: 0>} : vector<24x1xi32>
    %convert_element_type3A_213 = arith.sitofp %iota3A_212 : vector<24x1xi32> to vector<24x1xf32>
    %mul3A_214 = arith.constant 2.560000e+02 : f32
    %mul3A_215 = vector.broadcast %mul3A_214 : f32 to vector<24x1xf32>
    %mul3A_216 = arith.mulf %convert_element_type3A_213, %mul3A_215 : vector<24x1xf32>
    %iota3A_217 = tpu.iota {dimensions = array<i32: 1>} : vector<24x128xi32>
    %ge3A_218 = vector.broadcast %mul3A_216 : vector<24x1xf32> to vector<24x128xf32>
    %ge3A_219 = vector.broadcast %dot_general3A_195 : vector<1x128xf32> to vector<24x128xf32>
    %ge3A_220 = arith.cmpf oge, %ge3A_218, %ge3A_219 : vector<24x128xf32>
    %lt3A_221 = arith.constant 8 : i32
    %lt3A_222 = vector.broadcast %lt3A_221 : i32 to vector<24x128xi32>
    %lt3A_223 = arith.cmpi slt, %iota3A_217, %lt3A_222 : vector<24x128xi32>
    %and3A_224 = arith.andi %ge3A_220, %lt3A_223 : vector<24x128xi1>
    %jit3A_225 = arith.constant 1.000000e+00 : f32
    %jit3A_226 = arith.constant 0.000000e+00 : f32
    %broadcast_in_dim3A_227 = vector.broadcast %jit3A_225 : f32 to vector<24x128xf32>
    %broadcast_in_dim3A_228 = vector.broadcast %jit3A_226 : f32 to vector<24x128xf32>
    %select_n3A_229 = arith.select %and3A_224, %broadcast_in_dim3A_227, %broadcast_in_dim3A_228 : vector<24x128xi1>, vector<24x128xf32>
    %reduce_sum3A_230 = arith.constant dense<0.000000e+00> : vector<24xf32>
    %reduce_sum3A_231 = vector.multi_reduction <add>, %select_n3A_229, %reduce_sum3A_230 [1] : vector<24x128xf32> to vector<24xf32>
    %broadcast_in_dim3A_232 = vector.shape_cast %reduce_sum3A_231 : vector<24xf32> to vector<24x1xf32>
    %min3A = arith.constant 7.000000e+00 : f32
    %min3A_233 = vector.broadcast %min3A : f32 to vector<24x1xf32>
    %min3A_234 = arith.minimumf %broadcast_in_dim3A_232, %min3A_233 : vector<24x1xf32>
    %convert_element_type3A_235 = arith.fptosi %min3A_234 : vector<24x1xf32> to vector<24x1xi32>
    %swap3A_236 = arith.constant 0 : index
    %swap3A_237 = arith.constant 0 : index
    %swap3A_238 = vector.load %arg4[%swap3A_236, %swap3A_237] : memref<24x1xi32, #tpu.memory_space<vmem>>, vector<24x1xi32>
    tpu.vector_store %arg4[%swap3A_236, %swap3A_237], %convert_element_type3A_235 {strides = array<i32>} : memref<24x1xi32, #tpu.memory_space<vmem>>, vector<24x1xi32>,
    return
  }
}

module attributes {stable_mosaic.version = 14 : i64} {
  func.func @_ffn_body(%arg0: i32, %arg1: i32, %arg2: memref<24xi32, #tpu.memory_space<smem>>, %arg3: memref<256x1024xf32, #tpu.memory_space<vmem>>, %arg4: memref<1x1024x1024xbf16, #tpu.memory_space<vmem>>, %arg5: memref<1x1024x1024xbf16, #tpu.memory_space<vmem>>, %arg6: memref<1x1024x1024xbf16, #tpu.memory_space<vmem>>, %arg7: memref<256x1024xf32, #tpu.memory_space<vmem>>) attributes {dimension_semantics = [#tpu.dimension_semantics<arbitrary>, #tpu.dimension_semantics<arbitrary>], iteration_bounds = array<i64: 24, 2>, scalar_prefetch = 1 : i64, scratch_operands = 0 : i64, tpu.core_type = #tpu.core_type<tc>, window_params = [{transform_indices = @transform_0, window_bounds = array<i64: 256, 1024>}, {transform_indices = @transform_1, window_bounds = array<i64: 1, 1024, 1024>}, {transform_indices = @transform_2, window_bounds = array<i64: 1, 1024, 1024>}, {transform_indices = @transform_3, window_bounds = array<i64: 1, 1024, 1024>}, {transform_indices = @transform_4, window_bounds = array<i64: 256, 1024>}]} {
    %get3A = arith.constant 0 : index
    %get3A_0 = arith.constant 0 : index
    %get3A_1 = vector.load %arg3[%get3A, %get3A_0] : memref<256x1024xf32, #tpu.memory_space<vmem>>, vector<256x1024xf32>
    %convert_element_type3A = arith.truncf %get3A_1 : vector<256x1024xf32> to vector<256x1024xbf16>
    %get3A_2 = arith.constant 0 : index
    %get3A_3 = arith.constant 0 : index
    %get3A_4 = arith.constant 0 : index
    %get3A_5 = vector.load %arg4[%get3A_2, %get3A_3, %get3A_4] : memref<1x1024x1024xbf16, #tpu.memory_space<vmem>>, vector<1x1024x1024xbf16>
    %get3A_6 = vector.shape_cast %get3A_5 : vector<1x1024x1024xbf16> to vector<1024x1024xbf16>
    %dot_general3A = arith.constant dense<0.000000e+00> : vector<256x1024xf32>
    %dot_general3A_7 = tpu.matmul %convert_element_type3A, %get3A_6, %dot_general3A {dimension_numbers = #tpu.dot_dimension_numbers<[1], [1], [0], [0], [0, 0, 1, 0], [], []>, transpose_lhs_hint = false} : vector<256x1024xbf16>, vector<1024x1024xbf16>, vector<256x1024xf32> -> vector<256x1024xf32>
    %get3A_8 = arith.constant 0 : index
    %get3A_9 = arith.constant 0 : index
    %get3A_10 = arith.constant 0 : index
    %get3A_11 = vector.load %arg5[%get3A_8, %get3A_9, %get3A_10] : memref<1x1024x1024xbf16, #tpu.memory_space<vmem>>, vector<1x1024x1024xbf16>
    %get3A_12 = vector.shape_cast %get3A_11 : vector<1x1024x1024xbf16> to vector<1024x1024xbf16>
    %dot_general3A_13 = arith.constant dense<0.000000e+00> : vector<256x1024xf32>
    %dot_general3A_14 = tpu.matmul %convert_element_type3A, %get3A_12, %dot_general3A_13 {dimension_numbers = #tpu.dot_dimension_numbers<[1], [1], [0], [0], [0, 0, 1, 0], [], []>, transpose_lhs_hint = false} : vector<256x1024xbf16>, vector<1024x1024xbf16>, vector<256x1024xf32> -> vector<256x1024xf32>
    %logistic3A = arith.negf %dot_general3A_7 : vector<256x1024xf32>
    %logistic3A_15 = math.exp %logistic3A : vector<256x1024xf32>
    %logistic3A_16 = arith.constant 1.000000e+00 : f32
    %logistic3A_17 = vector.broadcast %logistic3A_16 : f32 to vector<256x1024xf32>
    %logistic3A_18 = arith.addf %logistic3A_17, %logistic3A_15 : vector<256x1024xf32>
    %logistic3A_19 = arith.divf %logistic3A_17, %logistic3A_18 : vector<256x1024xf32>
    %mul3A = arith.mulf %dot_general3A_7, %logistic3A_19 : vector<256x1024xf32>
    %mul3A_20 = arith.mulf %mul3A, %dot_general3A_14 : vector<256x1024xf32>
    %convert_element_type3A_21 = arith.truncf %mul3A_20 : vector<256x1024xf32> to vector<256x1024xbf16>
    %get3A_22 = arith.constant 0 : index
    %get3A_23 = arith.constant 0 : index
    %get3A_24 = arith.constant 0 : index
    %get3A_25 = vector.load %arg6[%get3A_22, %get3A_23, %get3A_24] : memref<1x1024x1024xbf16, #tpu.memory_space<vmem>>, vector<1x1024x1024xbf16>
    %get3A_26 = vector.shape_cast %get3A_25 : vector<1x1024x1024xbf16> to vector<1024x1024xbf16>
    %dot_general3A_27 = arith.constant dense<0.000000e+00> : vector<256x1024xf32>
    %dot_general3A_28 = tpu.matmul %convert_element_type3A_21, %get3A_26, %dot_general3A_27 {dimension_numbers = #tpu.dot_dimension_numbers<[1], [1], [0], [0], [0, 0, 1, 0], [], []>, transpose_lhs_hint = false} : vector<256x1024xbf16>, vector<1024x1024xbf16>, vector<256x1024xf32> -> vector<256x1024xf32>
    %eq3A = arith.constant 0 : i32
    %eq3A_29 = arith.cmpi eq, %arg1, %eq3A : i32
    %convert_element_type3A_30 = arith.extui %eq3A_29 : i1 to i32
    %cond3A = arith.constant 0 : i32
    %cond3A_31 = arith.cmpi ne, %convert_element_type3A_30, %cond3A : i32
    scf.if %cond3A_31 {
      %swap3A = arith.constant 0 : index
      %swap3A_36 = arith.constant 0 : index
      %swap3A_37 = vector.load %arg7[%swap3A, %swap3A_36] : memref<256x1024xf32, #tpu.memory_space<vmem>>, vector<256x1024xf32>
      tpu.vector_store %arg7[%swap3A, %swap3A_36], %dot_general3A_28 {strides = array<i32>} : memref<256x1024xf32, #tpu.memory_space<vmem>>, vector<256x1024xf32>,
    } else {
    }
    %gt3A = arith.constant 0 : i32
    %gt3A_32 = arith.cmpi sgt, %arg1, %gt3A : i32
    %convert_element_type3A_33 = arith.extui %gt3A_32 : i1 to i32
    %cond3A_34 = arith.constant 0 : i32
    %cond3A_35 = arith.cmpi ne, %convert_element_type3A_33, %cond3A_34 : i32
    scf.if %cond3A_35 {
      %get3A_36 = arith.constant 0 : index
      %get3A_37 = arith.constant 0 : index
      %get3A_38 = vector.load %arg7[%get3A_36, %get3A_37] : memref<256x1024xf32, #tpu.memory_space<vmem>>, vector<256x1024xf32>
      %add3A = arith.addf %get3A_38, %dot_general3A_28 : vector<256x1024xf32>
      %swap3A = arith.constant 0 : index
      %swap3A_39 = arith.constant 0 : index
      %swap3A_40 = vector.load %arg7[%swap3A, %swap3A_39] : memref<256x1024xf32, #tpu.memory_space<vmem>>, vector<256x1024xf32>
      tpu.vector_store %arg7[%swap3A, %swap3A_39], %add3A {strides = array<i32>} : memref<256x1024xf32, #tpu.memory_space<vmem>>, vector<256x1024xf32>,
    } else {
    }
    return
  }
  func.func @transform_0(%arg0: i32, %arg1: i32, %arg2: memref<24xi32, #tpu.memory_space<smem>>) -> (i32, i32) {
    %c0_i32 = arith.constant 0 : i32
    %c0_i32_0 = arith.constant 0 : i32
    return %arg0, %c0_i32 : i32, i32
  }
  func.func @transform_1(%arg0: i32, %arg1: i32, %arg2: memref<24xi32, #tpu.memory_space<smem>>) -> (i32, i32, i32) {
    %get3A = arith.index_cast %arg0 : i32 to index
    %get3A_0 = memref.load %arg2[%get3A] : memref<24xi32, #tpu.memory_space<smem>>
    %c0_i32 = arith.constant 0 : i32
    %c0_i32_1 = arith.constant 0 : i32
    return %get3A_0, %arg1, %c0_i32 : i32, i32, i32
  }
  func.func @transform_2(%arg0: i32, %arg1: i32, %arg2: memref<24xi32, #tpu.memory_space<smem>>) -> (i32, i32, i32) {
    %get3A = arith.index_cast %arg0 : i32 to index
    %get3A_0 = memref.load %arg2[%get3A] : memref<24xi32, #tpu.memory_space<smem>>
    %c0_i32 = arith.constant 0 : i32
    %c0_i32_1 = arith.constant 0 : i32
    return %get3A_0, %arg1, %c0_i32 : i32, i32, i32
  }
  func.func @transform_3(%arg0: i32, %arg1: i32, %arg2: memref<24xi32, #tpu.memory_space<smem>>) -> (i32, i32, i32) {
    %get3A = arith.index_cast %arg0 : i32 to index
    %get3A_0 = memref.load %arg2[%get3A] : memref<24xi32, #tpu.memory_space<smem>>
    %c0_i32 = arith.constant 0 : i32
    %c0_i32_1 = arith.constant 0 : i32
    return %get3A_0, %c0_i32, %arg1 : i32, i32, i32
  }
  func.func @transform_4(%arg0: i32, %arg1: i32, %arg2: memref<24xi32, #tpu.memory_space<smem>>) -> (i32, i32) {
    %c0_i32 = arith.constant 0 : i32
    %c0_i32_0 = arith.constant 0 : i32
    return %arg0, %c0_i32 : i32, i32
  }
}

module attributes {stable_mosaic.version = 14 : i64} {
  func.func @_pairadd_body(%arg0: i32, %arg1: memref<512x128xf32, #tpu.memory_space<vmem>>, %arg2: memref<512x1024xf32, #tpu.memory_space<vmem>>, %arg3: memref<512x1024xf32, #tpu.memory_space<vmem>>, %arg4: memref<512x1024xf32, #tpu.memory_space<vmem>>) attributes {dimension_semantics = [#tpu.dimension_semantics<arbitrary>], iteration_bounds = array<i64: 4>, scalar_prefetch = 0 : i64, scratch_operands = 0 : i64, tpu.core_type = #tpu.core_type<tc>, window_params = [{transform_indices = @transform_0, window_bounds = array<i64: 512, 128>}, {transform_indices = @transform_1, window_bounds = array<i64: 512, 1024>}, {transform_indices = @transform_2, window_bounds = array<i64: 512, 1024>}, {transform_indices = @transform_3, window_bounds = array<i64: 512, 1024>}]} {
    %iota3A = tpu.iota {dimensions = array<i32: 1>} : vector<512x128xi32>
    %get3A = arith.constant 0 : index
    %get3A_0 = arith.constant 0 : index
    %get3A_1 = vector.load %arg1[%get3A, %get3A_0] : memref<512x128xf32, #tpu.memory_space<vmem>>, vector<512x128xf32>
    %eq3A = arith.constant 2 : i32
    %eq3A_2 = vector.broadcast %eq3A : i32 to vector<512x128xi32>
    %eq3A_3 = arith.cmpi eq, %iota3A, %eq3A_2 : vector<512x128xi32>
    %jit3A = arith.constant 0.000000e+00 : f32
    %broadcast_in_dim3A = vector.broadcast %jit3A : f32 to vector<512x128xf32>
    %select_n3A = arith.select %eq3A_3, %get3A_1, %broadcast_in_dim3A : vector<512x128xi1>, vector<512x128xf32>
    %reduce_sum3A = arith.constant dense<0.000000e+00> : vector<512xf32>
    %reduce_sum3A_4 = vector.multi_reduction <add>, %select_n3A, %reduce_sum3A [1] : vector<512x128xf32> to vector<512xf32>
    %broadcast_in_dim3A_5 = vector.shape_cast %reduce_sum3A_4 : vector<512xf32> to vector<512x1xf32>
    %eq3A_6 = arith.constant 3 : i32
    %eq3A_7 = vector.broadcast %eq3A_6 : i32 to vector<512x128xi32>
    %eq3A_8 = arith.cmpi eq, %iota3A, %eq3A_7 : vector<512x128xi32>
    %jit3A_9 = arith.constant 0.000000e+00 : f32
    %broadcast_in_dim3A_10 = vector.broadcast %jit3A_9 : f32 to vector<512x128xf32>
    %select_n3A_11 = arith.select %eq3A_8, %get3A_1, %broadcast_in_dim3A_10 : vector<512x128xi1>, vector<512x128xf32>
    %reduce_sum3A_12 = arith.constant dense<0.000000e+00> : vector<512xf32>
    %reduce_sum3A_13 = vector.multi_reduction <add>, %select_n3A_11, %reduce_sum3A_12 [1] : vector<512x128xf32> to vector<512xf32>
    %broadcast_in_dim3A_14 = vector.shape_cast %reduce_sum3A_13 : vector<512xf32> to vector<512x1xf32>
    %get3A_15 = arith.constant 0 : index
    %get3A_16 = arith.constant 0 : index
    %get3A_17 = vector.load %arg2[%get3A_15, %get3A_16] : memref<512x1024xf32, #tpu.memory_space<vmem>>, vector<512x1024xf32>
    %mul3A = vector.broadcast %broadcast_in_dim3A_5 : vector<512x1xf32> to vector<512x1024xf32>
    %mul3A_18 = arith.mulf %mul3A, %get3A_17 : vector<512x1024xf32>
    %get3A_19 = arith.constant 0 : index
    %get3A_20 = arith.constant 0 : index
    %get3A_21 = vector.load %arg3[%get3A_19, %get3A_20] : memref<512x1024xf32, #tpu.memory_space<vmem>>, vector<512x1024xf32>
    %mul3A_22 = vector.broadcast %broadcast_in_dim3A_14 : vector<512x1xf32> to vector<512x1024xf32>
    %mul3A_23 = arith.mulf %mul3A_22, %get3A_21 : vector<512x1024xf32>
    %add3A = arith.addf %mul3A_18, %mul3A_23 : vector<512x1024xf32>
    %swap3A = arith.constant 0 : index
    %swap3A_24 = arith.constant 0 : index
    %swap3A_25 = vector.load %arg4[%swap3A, %swap3A_24] : memref<512x1024xf32, #tpu.memory_space<vmem>>, vector<512x1024xf32>
    tpu.vector_store %arg4[%swap3A, %swap3A_24], %add3A {strides = array<i32>} : memref<512x1024xf32, #tpu.memory_space<vmem>>, vector<512x1024xf32>,
    return
  }
  func.func @transform_0(%arg0: i32) -> (i32, i32) {
    %c0_i32 = arith.constant 0 : i32
    %c0_i32_0 = arith.constant 0 : i32
    return %arg0, %c0_i32 : i32, i32
  }
  func.func @transform_1(%arg0: i32) -> (i32, i32) {
    %c0_i32 = arith.constant 0 : i32
    %c0_i32_0 = arith.constant 0 : i32
    return %arg0, %c0_i32 : i32, i32
  }
  func.func @transform_2(%arg0: i32) -> (i32, i32) {
    %add3A = arith.constant 4 : i32
    %add3A_0 = arith.addi %arg0, %add3A : i32
    %c0_i32 = arith.constant 0 : i32
    %c0_i32_1 = arith.constant 0 : i32
    return %add3A_0, %c0_i32 : i32, i32
  }
  func.func @transform_3(%arg0: i32) -> (i32, i32) {
    %c0_i32 = arith.constant 0 : i32
    %c0_i32_0 = arith.constant 0 : i32
    return %arg0, %c0_i32 : i32, i32
  }
}

</mosaic_0001>

<sc_bundles>
// kernel: kernel.10.cloned.1.call-start
scs
__scs_entry_jumppad:
0x0: {  	(pc) =	sbr.rel $0x88, $3  }
0x1: {  	(tag) =	ssettag $0x0;
	lr =	simm.s32 $0x1  }
0x2: {  	[smem:$0x3F9C] =	sst lr;
	_ =	strace $0xD0000000  }
0x3: {  	_ = 	snop  }
0x4: {  	_ = 	snop  }
0x5: {  	_ = 	snop  }
0x6: {  	_ = 	snop  }
0x7: {  	_ = 	snop  }
__scs_overlays_trampoline_lowered:
0x8: {  	[smem:$0x3FAB] =	sst s0  }
0x9: {  	[smem:$0x3FAC] =	sst s1  }
0xa: {  	[smem:$0x3FAD] =	sst s2  }
0xb: {  	[smem:$0x3FAE] =	sst s3  }
0xc: {  	[smem:$0x3FAF] =	sst s4  }
0xd: {  	[smem:$0x3FB0] =	sst s5  }
0xe: {  	[smem:$0x3FB1] =	sst s6  }
0xf: {  	[smem:$0x3FB2] =	sst s7  }
0x10: {  	[smem:$0x3FB3] =	sst s8  }
0x11: {  	[smem:$0x3FB4] =	sst s9;
	s0 =	simm.s32 @!p0 $0x0  }
0x12: {  	s1 =	sld [smem:$0x3F9A];
	s0 =	simm.s32 @p0 $0x1  }
0x13: {  	[smem:$0x3FB5] =	sst s0;
	s0 =	simm.s32 @!p1 $0x0  }
0x14: {  	s2 =	sld [smem:$0x3F99];
	s0 =	simm.s32 @p1 $0x1  }
0x15: {  	[smem:$0x3FB6] =	sst s0;
	s0 =	simm.s32 @!p2 $0x0  }
0x16: {  	s3 =	sld [smem:$0x3FDB];
	s0 =	simm.s32 @p2 $0x1  }
0x17: {  	s4 =	simm.s32 $0x1BF5;
	[smem:$0x3FB8] =	sst s0  }
0x18: {  	s0 =	sld [smem:$0x3F9B];
	_ =	swait.ge [sflag:s4], $0x0  }
0x19: {  	s7 =	sld [smem:$0x3F9C]  }
0x1a: {  	s8 =	sadd.s32 $0xFFFFE003, lr  }
0x1b: {  	s9 =	sadd.s32 $0xFFFFFEF7, lr;
	s5 =	simm.s32 $0xFFFFFFFF;
	p2 =	slt.u32 s8, $0xFFFFF086  }
0x1c: {  	p1 =	slt.u32 s9, $0xF7A;
	s5 =	simm.s32 @!p2 $0x0  }
0x1d: {  	s5 =	simm.s32 @p1 $0x1;
	p0 =	seq.s32 s7, s2  }
0x1e: {  	s7 =	smul.u32 @!p0 $0xF7A, s2;
	p2 =	seq.s32 @!p0 s5, $0x0  }
0x1f: {  	s9 =	smul.u32 $0xF7A, s1;
	s8 =	simm.s32 @!p0 $0x1BF5;
	p2 =	por !p2, p0  }
0x20: {  	[sflag:s8] =	ssyncset.s32 @!p0 $0xFFFFF086;
	s6 =	sadd.s32 @!p0 s3, s7;
	s7 =	simm.s32 @!p0 $0x108  }
0x21: {  	s3 =	sadd.s32 s3, s9;
	s6 =	sadd.s32 @!p0 $0x88, s6;
	s7 =	simm.s32 @p2 $0x1082  }
0x22: {  	[simem:s7], [sflag:s8] =	dma.local @!p0 [hbm:s6], $0xF7A  }
0x23: {  	s9 =	sor.u32 $0xD0000000, s2;
	s6 =	simm.s32 $0x108;
	_ =	swait.ge @!p0 [sflag:s8], $0x0  }
0x24: {  	s3 =	sadd.s32 $0x88, s3;
	s6 =	simm.s32 @!p1 $0x1082;
	[sflag:s4] =	ssyncset.s32 $0xFFFFF086  }
0x25: {  	[simem:s6], [sflag:s4] =	dma.local [hbm:s3], $0xF7A  }
0x26: {  	[smem:$0x3F9C] =	sst s1;
	(tag) =	ssettag s2;
	_ =	strace s9  }
0x27: {  	s1 =	sld [smem:$0x3FAC]  }
0x28: {  	s2 =	sld [smem:$0x3FAD]  }
0x29: {  	s4 =	sld [smem:$0x3FAF]  }
0x2a: {  	p0 =	seq.s32 s5, $0x0;
	s5 =	sld [smem:$0x3FB0]  }
0x2b: {  	s6 =	sld [smem:$0x3FB1]  }
0x2c: {  	s7 =	sld [smem:$0x3FB2]  }
0x2d: {  	s3 =	simm.s32 $0x108;
	s8 =	sld [smem:$0x3FB3]  }
0x2e: {  	s3 =	simm.s32 @!p0 $0x1082;
	s9 =	sld [smem:$0x3FB4]  }
0x2f: {  	lr =	sadd.s32 s0, s3;
	s0 =	sld [smem:$0x3FAB]  }
0x30: {  	s3 =	sld [smem:$0x3FAE]  }
0x31: {  	[smem:$0x3FB7] =	sst s10  }
0x32: {  	s10 =	sld [smem:$0x3FB5];
	_ =	sdelay $0x3  }
0x33: {  	p0 =	seq.s32 s10, $0x1;
	s10 =	sld [smem:$0x3FB7];
	_ =	sdelay $0x3  }
0x34: {  	[smem:$0x3FB7] =	sst s10  }
0x35: {  	s10 =	sld [smem:$0x3FB6];
	_ =	sdelay $0x3  }
0x36: {  	p1 =	seq.s32 s10, $0x1;
	s10 =	sld [smem:$0x3FB7];
	_ =	sdelay $0x3  }
0x37: {  	[smem:$0x3FB7] =	sst s10  }
0x38: {  	s10 =	sld [smem:$0x3FB8]  }
0x39: {  	_ = 	snop;
	(pc) =	sbr.ind lr, $3  }
0x3a: {  	_ = 	snop  }
0x3b: {  	_ = 	snop  }
0x3c: {  	p2 =	seq.s32 s10, $0x1;
	s10 =	sld [smem:$0x3FB7]  }
0x3d: {  	_ =	shalt  }
0x3e: {  	_ =	shalt  }
0x3f: {  	_ =	shalt  }
0x40: {  	_ =	shalt  }
0x41: {  	_ =	shalt  }
0x42: {  	_ =	shalt  }
0x43: {  	_ =	shalt  }
0x44: {  	_ =	shalt  }
0x45: {  	_ =	shalt  }
0x46: {  	_ =	shalt  }
0x47: {  	_ =	shalt  }
0x48: {  	_ =	shalt  }
0x49: {  	_ =	shalt  }
0x4a: {  	_ =	shalt  }
0x4b: {  	_ =	shalt  }
0x4c: {  	_ =	shalt  }
0x4d: {  	_ =	shalt  }
0x4e: {  	_ =	shalt  }
0x4f: {  	_ =	shalt  }
0x50: {  	_ =	shalt  }
0x51: {  	_ =	shalt  }
0x52: {  	_ =	shalt  }
0x53: {  	_ =	shalt  }
0x54: {  	_ =	shalt  }
0x55: {  	_ =	shalt  }
0x56: {  	_ =	shalt  }
0x57: {  	_ =	shalt  }
0x58: {  	_ =	shalt  }
0x59: {  	_ =	shalt  }
0x5a: {  	_ =	shalt  }
0x5b: {  	_ =	shalt  }
0x5c: {  	_ =	shalt  }
0x5d: {  	_ =	shalt  }
0x5e: {  	_ =	shalt  }
0x5f: {  	_ =	shalt  }
0x60: {  	_ =	shalt  }
0x61: {  	_ =	shalt  }
0x62: {  	_ =	shalt  }
0x63: {  	_ =	shalt  }
0x64: {  	_ =	shalt  }
0x65: {  	_ =	shalt  }
0x66: {  	_ =	shalt  }
0x67: {  	_ =	shalt  }
0x68: {  	_ =	shalt  }
0x69: {  	_ =	shalt  }
0x6a: {  	_ =	shalt  }
0x6b: {  	_ =	shalt  }
0x6c: {  	_ =	shalt  }
0x6d: {  	_ =	shalt  }
0x6e: {  	_ =	shalt  }
0x6f: {  	_ =	shalt  }
0x70: {  	_ =	shalt  }
0x71: {  	_ =	shalt  }
0x72: {  	_ =	shalt  }
0x73: {  	_ =	shalt  }
0x74: {  	_ =	shalt  }
0x75: {  	_ =	shalt  }
0x76: {  	_ =	shalt  }
0x77: {  	_ =	shalt  }
0x78: {  	_ =	shalt  }
0x79: {  	_ =	shalt  }
0x7a: {  	_ =	shalt  }
0x7b: {  	_ =	shalt  }
0x7c: {  	_ =	shalt  }
0x7d: {  	_ =	shalt  }
0x7e: {  	_ =	shalt  }
0x7f: {  	_ =	shalt  }
0x80: {  	_ =	shalt  }
0x81: {  	_ =	shalt  }
0x82: {  	_ =	shalt  }
0x83: {  	_ =	shalt  }
0x84: {  	_ =	shalt  }
0x85: {  	_ =	shalt  }
0x86: {  	_ =	shalt  }
0x87: {  	_ =	shalt  }
.Lfunc_end0:
.L_simem_size_0:
called_computation.1_lowered:
.L_overlay_start_0:
0x88: {  	s2 =	sld [smem:$0x3FD9]  }
0x89: {  	s3 =	sld [smem:$0x3FFE];
	_ =	sdelay $0x1  }
0x8a: {  	s1 =	srdreg.scid  }
0x8b: {  	s0 =	sand.u32 $0x1, s1  }
0x8c: {  	s16 =	sshll.u32 s0, $0xA;
	s2 =	sadd.s32 s3, s2  }
0x8d: {  	s2 =	sadd.s32 s2, s16  }
0x8e: {  	[smem:$0x3FC3] =	sst s2  }
0x8f: {  	_ = 	snop  }
0x90: {  	(tm) =	ssettm $0x1  }
0x91: {  	s17 =	sld [smem:$0x3FFB];
	_ =	sdelay $0x3  }
0x92: {  	_ =	strace s17  }
0x93: {  	s2 =	sld [smem:$0x3FFC];
	_ =	sdelay $0x3  }
0x94: {  	_ =	strace s2  }
0x95: {  	s2 =	sld [smem:$0x3FFD];
	_ =	sdelay $0x3  }
0x96: {  	_ =	strace s2  }
0x97: {  	_ =	strace $0x8FFFFFFF  }
0x98: {  	s18 =	sld [smem:$0x3FDB];
	_ =	sdelay $0x1  }
0x99: {  	s19 =	simm.s32 $_scs_section_size  }
0x9a: {  	s4 =	simm.s32 $_size__tile_overlayer_lowered;
	s5 =	simm.s32 $_tile_overlayer_lowered  }
0x9b: {  	s22 =	simm.s32 $0x1BFF;
	s21 =	sshll.u32 s5, $0x1;
	s2 =	sadd.s32 s19, s18  }
0x9c: {  	s6 =	simm.s32 $0x0;
	s20 =	sshll.u32 s4, $0x1;
	s4 =	sadd.s32 s21, s2  }
0x9d: {  	[timem:s6], [sflag:s22] =	dma.local [hbm:s4], s20  }
0x9e: {  	_ =	swait.ge [sflag:s22], s20  }
0x9f: {  	s3 =	ssub.s32 $0x0, s20;
	[sflag:s22] =	ssyncset.done $0x0  }
0xa0: {  	[sflag:s22] =	ssyncadd.s32 s3;
	_ =	sdelay $0x1  }
0xa1: {  	s23 =	simm.s32 $0x1B8B  }
0xa2: {  	_ =	swait.ge [sflag:s23], $0x1  }
0xa3: {  	[sflag:s23] =	ssyncset.done $0x0  }
0xa4: {  	s25 =	simm.s32 $0x1B8E;
	s24 =	sld [smem:$0x3FFE];
	[sflag:s23] =	ssyncadd.s32 $0xFFFFFFFF  }
0xa5: {  	s26 =	simm.s32 $execute0_lowered;
	[smem:$0x3FD2] =	sst s25  }
0xa6: {  	s4 =	sshll.u32 s26, $0x1;
	_ =	strace $0x80000049;
	[dreg:$0x1] =	wrdreg $0xFFFFFFFF  }
0xa7: {  	s28 =	simm.s32 $_size_execute0_lowered;
	s2 =	sadd.s32 s2, s4;
	[dreg:$0x0] =	wrdreg $0x0  }
0xa8: {  	s4 =	sshll.u32 s28, $0x1;
	[dreg:$0x2] =	wrdreg s2  }
0xa9: {  	[dreg:$0x3] =	wrdreg s4  }
0xaa: {  	[dreg:$0x4] =	wrdreg $0xC0  }
0xab: {  	_ =	task [dreg:s6], $0x5FFFF  }
0xac: {  	[dreg:$0x1] =	wrdreg $0xFFFFFFFF  }
0xad: {  	[dreg:$0x0] =	wrdreg $0x60  }
0xae: {  	[dreg:$0x2] =	wrdreg s24  }
0xaf: {  	[dreg:$0x3] =	wrdreg $0x9  }
0xb0: {  	_ =	task.clear_ibuf [dreg:s6], $0x4FFFF;
	_ =	strace $0x90000049  }
0xb1: {  	s29 =	simm.s32 $0x9;
	_ =	strace $0x8000004B  }
0xb2: {  	_ =	swait.ge [sflag:s29], $0x1  }
0xb3: {  	[sflag:s29] =	ssyncadd.s32 $0xFFFFFFFF  }
0xb4: {  	_ =	strace $0x9000004B  }
0xb5: {  	_ =	sfence  }
0xb6: {  	s30 =	sld [smem:$0x0];
	_ =	sdelay $0x2  }
0xb7: {  	s31 =	sshll.u32 s1, $0xD;
	s1 =	sshrl.u32 s1, $0x2  }
0xb8: {  	s3 =	sand.u32 $0x4000, s31;
	s1 =	sadd.s32 s1, s30  }
0xb9: {  	s0 =	sor.u32 s3, s0;
	s1 =	sshll.u32 s1, $0x11  }
0xba: {  	s0 =	sor.u32 s1, s0  }
0xbb: {  	s0 =	sadd.s32 $0x8F2B, s0  }
0xbc: {  	[sflag:s0] =	ssyncadd.remote.s32 $0x1  }
0xbd: {  	_ =	sfence.sel $0xFFFF  }
0xbe: {  	[dreg:$0x0] =	wrdreg $0xFFFFFFFF;
	(pc) =	sbr.abs _section_cstart, $3  }
0xbf: {  	[dreg:$0x1] =	wrdreg $0xFFFFFFFF  }
0xc0: {  	_ =	task.clear_ibuf [dreg:s6], $0x2FFFF;
	_ =	strace $0x9FFFFFFF  }
0xc1: {  	(tm) =	ssettm $0x7FFFFFFF  }
tec
execute0_lowered:
.L_overlay_start_1:
0x0: {  	(tag) =	ssettag $0x1  }
0x1: {  	s0 =	rddreg [dreg:$0x0]  }
0x2: {  	s2 =	simm.s32 $0x0;
	s1 =	srdreg.scid;
	s4 =	stileid.u32  }
0x3: {  	s28 =	simm.s32 $0x1900;
	s29 =	simm.s32 $0x2100;
	s30 =	simm.s32 $0x2900  }
0x4: {  	s31 =	simm.s32 $0x3100;
	s11 =	simm.s32 $0x5100;
	s12 =	simm.s32 $0x5900  }
0x5: {  	s13 =	simm.s32 $0x6100;
	s14 =	simm.s32 $0x6900;
	s15 =	simm.s32 $0x7100  }
0x6: {  	[smem:$0x7FF] =	sst s2;
	s1 =	sand.u32 $0x1, s1;
	s3 =	sadd.s32 $0x3C0A00, s0  }
0x7: {  	s4 =	sshll.u32 s4, $0x8;
	s6 =	sadd.s32 $0x800, s0;
	s5 =	sshll.u32 s1, $0x7  }
0x8: {  	s7 =	sadd.s32 $0xA00, s0;
	s1 =	ssub.s32 $0x2, s1;
	s4 =	sor.u32 s5, s4  }
0x9: {  	_ =	strace $0x8000004A;
	s9 =	sshrl.u32 s1, $0x1;
	s5 =	sshrl.u32 s4, $0x3  }
0xa: {  	s8 =	sor.u32 $0x20, s4;
	s17 =	sshll.u32 s4, $0x7;
	s19 =	sor.u32 $0x40, s4  }
0xb: {  	s1 =	ssub.s32 s1, s9;
	s4 =	sor.u32 $0x60, s4;
	s9 =	simm.s32 $0x1  }
0xc: {  	s5 =	sadd.s32 s6, s5;
	s10 =	sshrl.u32 s8, $0x3;
	s18 =	sadd.s32 s7, s17  }
0xd: {  	s20 =	sshrl.u32 s19, $0x3;
	s8 =	sshll.u32 s8, $0x7;
	s22 =	sshrl.u32 s4, $0x3  }
0xe: {  	s24 =	sshll.u32 s19, $0x7;
	s26 =	sshll.u32 s4, $0x7;
	s4 =	sadd.s32 $0x3C0B00, s0  }
0xf: {  	s17 =	simm.s32 $0x80;
	s19 =	simm.s32 $0x8100;
	[dreg:$0x2] =	wrdreg s5  }
0x10: {  	s16 =	sadd.s32 s6, s10;
	[dreg:$0x4] =	wrdreg s18;
	s5 =	sadd.s32 s6, s20  }
0x11: {  	s21 =	sadd.s32 s7, s8;
	s23 =	sadd.s32 s6, s22;
	s25 =	sadd.s32 s7, s24  }
0x12: {  	s7 =	sadd.s32 s7, s26;
	s6 =	sadd.s32 $0x3C0D00, s0;
	[dreg:$0x3] =	wrdreg s16  }
0x13: {  	s8 =	simm.s32 $0x5;
	s20 =	simm.s32 $0x3;
	[dreg:$0x5] =	wrdreg s5  }
0x14: {  	s26 =	simm.s32 $0x100;
	s24 =	simm.s32 $0x900;
	[dreg:$0x6] =	wrdreg s21  }
0x15: {  	s10 =	simm.s32 $0x4900;
	s18 =	simm.s32 $0x8900;
	[dreg:$0x7] =	wrdreg s23  }
0x16: {  	v2 =	vlaneseq.u32;
	s22 =	simm.s32 $0x9100;
	[dreg:$0x8] =	wrdreg s25;
	s5 =	sadd.s32 $0x3C0C00, s0  }
0x17: {  	vm0 =	vmmov $0xffff;
	v1 =	vshrl.u32 v2, $0x3;
	[dreg:$0x9] =	wrdreg s7;
	s7 =	smax.u32 s1, $0x1;
	s21 =	simm.s32 $0x2  }
0x18: {  	v0 =	vand.u32 $0x7, v2;
	v2 =	vor.u32 $0x8, v2;
	v1 =	vmul.u32 $0x8, v1;
	s25 =	simm.s32 $0x1100;
	s1 =	simm.s32 $0x4100;
	s16 =	simm.s32 $0x7900  }
.LBB2_1:
0x19: {  	s23 =	rddreg [dreg:$0x2]  }
0x1a: {  	[tilespmem:s2], [sflag:$0x5] =	stream.linear.gather [hbm4b:s23+s2], $0x20, $0x38;
	[tilespmem:$0x10100] =	vst v63  }
0x1b: {  	_ =	swait.ge [sflag:s8], $0x20  }
0x1c: {  	[sflag:s8] =	ssyncset.done $0x0  }
0x1d: {  	[sflag:s8] =	ssyncadd.s32 $0xFFFFFFE0  }
0x1e: {  	v3 =	vld [tilespmem:$0x0];
	_ =	sdelay $0x4  }
0x1f: {  	v4 =	vshll.u32 v3, $0x3  }
0x20: {  	v3 =	vand.u32 $0x7, v3;
	v4 =	vand.u32 $0xFFFFFFC0, v4  }
0x21: {  	v3 =	vor.u32 v3, v4  }
0x22: {  	v4 =	vperm.xlane v3, v0;
	_ =	sdelay $0x1  }
0x23: {  	v4 =	vadd.s32 v1, v4;
	_ =	sdelay $0x4  }
0x24: {  	[tilespmem:s26], [sflag:$0x1] =	stream.indirect_vreg.gather [hbm4b:s3+s2], $0x80, v4, vm0, $0xb8;
	[tilespmem:$0x10100] =	vst v63  }
0x25: {  	v3 =	vperm.xlane v3, v2  }
0x26: {  	[tilespmem:s24], [sflag:$0x1] =	stream.indirect_vreg.gather [hbm4b:s4+s2], $0x80, v4, vm0, $0xb8;
	[tilespmem:$0x10100] =	vst v63  }
0x27: {  	v3 =	vadd.s32 v1, v3  }
0x28: {  	[tilespmem:s25], [sflag:$0x1] =	stream.indirect_vreg.gather [hbm4b:s5+s2], $0x80, v4, vm0, $0xb8;
	[tilespmem:$0x10100] =	vst v63  }
0x29: {  	_ = 	snop  }
0x2a: {  	[tilespmem:s28], [sflag:$0x1] =	stream.indirect_vreg.gather [hbm4b:s6+s2], $0x80, v4, vm0, $0xb8;
	[tilespmem:$0x10100] =	vst v63  }
0x2b: {  	_ = 	snop  }
0x2c: {  	[tilespmem:s29], [sflag:$0x1] =	stream.indirect_vreg.gather [hbm4b:s3+s2], $0x80, v3, vm0, $0xb8;
	[tilespmem:$0x10100] =	vst v63  }
0x2d: {  	_ = 	snop  }
0x2e: {  	[tilespmem:s30], [sflag:$0x1] =	stream.indirect_vreg.gather [hbm4b:s4+s2], $0x80, v3, vm0, $0xb8;
	[tilespmem:$0x10100] =	vst v63  }
0x2f: {  	_ = 	snop  }
0x30: {  	[tilespmem:s31], [sflag:$0x1] =	stream.indirect_vreg.gather [hbm4b:s5+s2], $0x80, v3, vm0, $0xb8;
	[tilespmem:$0x10100] =	vst v63  }
0x31: {  	s0 =	simm.s32 $0x3900  }
0x32: {  	[tilespmem:s0], [sflag:$0x1] =	stream.indirect_vreg.gather [hbm4b:s6+s2], $0x80, v3, vm0, $0xb8;
	[tilespmem:$0x10100] =	vst v63  }
0x33: {  	v3 =	vld [tilespmem:$0x10];
	_ =	sdelay $0x4  }
0x34: {  	v57 =	vshll.u32 v3, $0x3  }
0x35: {  	v3 =	vand.u32 $0x7, v3;
	v4 =	vand.u32 $0xFFFFFFC0, v57  }
0x36: {  	v3 =	vor.u32 v3, v4  }
0x37: {  	v4 =	vperm.xlane v3, v0;
	_ =	sdelay $0x1  }
0x38: {  	v4 =	vadd.s32 v1, v4;
	_ =	sdelay $0x4  }
0x39: {  	[tilespmem:s1], [sflag:$0x1] =	stream.indirect_vreg.gather [hbm4b:s3+s2], $0x80, v4, vm0, $0xb8;
	[tilespmem:$0x10100] =	vst v63  }
0x3a: {  	v3 =	vperm.xlane v3, v2  }
0x3b: {  	[tilespmem:s10], [sflag:$0x1] =	stream.indirect_vreg.gather [hbm4b:s4+s2], $0x80, v4, vm0, $0xb8;
	[tilespmem:$0x10100] =	vst v63  }
0x3c: {  	v3 =	vadd.s32 v1, v3  }
0x3d: {  	[tilespmem:s11], [sflag:$0x1] =	stream.indirect_vreg.gather [hbm4b:s5+s2], $0x80, v4, vm0, $0xb8;
	[tilespmem:$0x10100] =	vst v63  }
0x3e: {  	_ = 	snop  }
0x3f: {  	[tilespmem:s12], [sflag:$0x1] =	stream.indirect_vreg.gather [hbm4b:s6+s2], $0x80, v4, vm0, $0xb8;
	[tilespmem:$0x10100] =	vst v63  }
0x40: {  	_ = 	snop  }
0x41: {  	[tilespmem:s13], [sflag:$0x1] =	stream.indirect_vreg.gather [hbm4b:s3+s2], $0x80, v3, vm0, $0xb8;
	[tilespmem:$0x10100] =	vst v63  }
0x42: {  	_ = 	snop  }
0x43: {  	[tilespmem:s14], [sflag:$0x1] =	stream.indirect_vreg.gather [hbm4b:s4+s2], $0x80, v3, vm0, $0xb8;
	[tilespmem:$0x10100] =	vst v63  }
0x44: {  	_ = 	snop  }
0x45: {  	[tilespmem:s15], [sflag:$0x1] =	stream.indirect_vreg.gather [hbm4b:s5+s2], $0x80, v3, vm0, $0xb8;
	[tilespmem:$0x10100] =	vst v63  }
0x46: {  	_ = 	snop  }
0x47: {  	[tilespmem:s16], [sflag:$0x1] =	stream.indirect_vreg.gather [hbm4b:s6+s2], $0x80, v3, vm0, $0xb8;
	[tilespmem:$0x10100] =	vst v63  }
0x48: {  	s23 =	rddreg [dreg:$0x3]  }
0x49: {  	[tilespmem:s17], [sflag:$0x5] =	stream.linear.gather [hbm4b:s23+s2], $0x20, $0x38;
	[tilespmem:$0x10100] =	vst v63  }
0x4a: {  	_ =	swait.ge [sflag:s8], $0x20  }
0x4b: {  	[sflag:s8] =	ssyncset.done $0x0  }
0x4c: {  	[sflag:s8] =	ssyncadd.s32 $0xFFFFFFE0  }
0x4d: {  	v3 =	vld [tilespmem:$0x80];
	_ =	sdelay $0x4  }
0x4e: {  	v58 =	vshll.u32 v3, $0x3  }
0x4f: {  	v3 =	vand.u32 $0x7, v3;
	v4 =	vand.u32 $0xFFFFFFC0, v58  }
0x50: {  	v3 =	vor.u32 v3, v4  }
0x51: {  	v4 =	vperm.xlane v3, v0;
	_ =	sdelay $0x1  }
0x52: {  	v4 =	vadd.s32 v1, v4;
	_ =	sdelay $0x4  }
0x53: {  	[tilespmem:s19], [sflag:$0x2] =	stream.indirect_vreg.gather [hbm4b:s3+s2], $0x80, v4, vm0, $0xb8;
	[tilespmem:$0x10100] =	vst v63  }
0x54: {  	v3 =	vperm.xlane v3, v2  }
0x55: {  	[tilespmem:s18], [sflag:$0x2] =	stream.indirect_vreg.gather [hbm4b:s4+s2], $0x80, v4, vm0, $0xb8;
	[tilespmem:$0x10100] =	vst v63  }
0x56: {  	v3 =	vadd.s32 v1, v3  }
0x57: {  	[tilespmem:s22], [sflag:$0x2] =	stream.indirect_vreg.gather [hbm4b:s5+s2], $0x80, v4, vm0, $0xb8;
	[tilespmem:$0x10100] =	vst v63  }
0x58: {  	s23 =	simm.s32 $0x9900  }
0x59: {  	[tilespmem:s23], [sflag:$0x2] =	stream.indirect_vreg.gather [hbm4b:s6+s2], $0x80, v4, vm0, $0xb8;
	[tilespmem:$0x10100] =	vst v63  }
0x5a: {  	s23 =	simm.s32 $0xA100  }
0x5b: {  	[tilespmem:s23], [sflag:$0x2] =	stream.indirect_vreg.gather [hbm4b:s3+s2], $0x80, v3, vm0, $0xb8;
	[tilespmem:$0x10100] =	vst v63  }
0x5c: {  	s23 =	simm.s32 $0xA900  }
0x5d: {  	[tilespmem:s23], [sflag:$0x2] =	stream.indirect_vreg.gather [hbm4b:s4+s2], $0x80, v3, vm0, $0xb8;
	[tilespmem:$0x10100] =	vst v63  }
0x5e: {  	s23 =	simm.s32 $0xB100  }
0x5f: {  	[tilespmem:s23], [sflag:$0x2] =	stream.indirect_vreg.gather [hbm4b:s5+s2], $0x80, v3, vm0, $0xb8;
	[tilespmem:$0x10100] =	vst v63  }
0x60: {  	s23 =	simm.s32 $0xB900  }
0x61: {  	[tilespmem:s23], [sflag:$0x2] =	stream.indirect_vreg.gather [hbm4b:s6+s2], $0x80, v3, vm0, $0xb8;
	[tilespmem:$0x10100] =	vst v63  }
0x62: {  	v3 =	vld [tilespmem:$0x90];
	_ =	sdelay $0x4  }
0x63: {  	v59 =	vshll.u32 v3, $0x3  }
0x64: {  	v3 =	vand.u32 $0x7, v3;
	v4 =	vand.u32 $0xFFFFFFC0, v59  }
0x65: {  	v3 =	vor.u32 v3, v4  }
0x66: {  	v4 =	vperm.xlane v3, v0;
	_ =	sdelay $0x1  }
0x67: {  	v4 =	vadd.s32 v1, v4;
	_ =	sdelay $0x3  }
0x68: {  	s23 =	simm.s32 $0xC100  }
0x69: {  	[tilespmem:s23], [sflag:$0x2] =	stream.indirect_vreg.gather [hbm4b:s3+s2], $0x80, v4, vm0, $0xb8;
	[tilespmem:$0x10100] =	vst v63  }
0x6a: {  	v3 =	vperm.xlane v3, v2;
	s23 =	simm.s32 $0xC900  }
0x6b: {  	[tilespmem:s23], [sflag:$0x2] =	stream.indirect_vreg.gather [hbm4b:s4+s2], $0x80, v4, vm0, $0xb8;
	[tilespmem:$0x10100] =	vst v63  }
0x6c: {  	v3 =	vadd.s32 v1, v3;
	s23 =	simm.s32 $0xD100  }
0x6d: {  	[tilespmem:s23], [sflag:$0x2] =	stream.indirect_vreg.gather [hbm4b:s5+s2], $0x80, v4, vm0, $0xb8;
	[tilespmem:$0x10100] =	vst v63  }
0x6e: {  	s23 =	simm.s32 $0xD900  }
0x6f: {  	[tilespmem:s23], [sflag:$0x2] =	stream.indirect_vreg.gather [hbm4b:s6+s2], $0x80, v4, vm0, $0xb8;
	[tilespmem:$0x10100] =	vst v63  }
0x70: {  	s23 =	simm.s32 $0xE100  }
0x71: {  	[tilespmem:s23], [sflag:$0x2] =	stream.indirect_vreg.gather [hbm4b:s3+s2], $0x80, v3, vm0, $0xb8;
	[tilespmem:$0x10100] =	vst v63  }
0x72: {  	s23 =	simm.s32 $0xE900  }
0x73: {  	[tilespmem:s23], [sflag:$0x2] =	stream.indirect_vreg.gather [hbm4b:s4+s2], $0x80, v3, vm0, $0xb8;
	[tilespmem:$0x10100] =	vst v63  }
0x74: {  	s23 =	simm.s32 $0xF100  }
0x75: {  	[tilespmem:s23], [sflag:$0x2] =	stream.indirect_vreg.gather [hbm4b:s5+s2], $0x80, v3, vm0, $0xb8;
	[tilespmem:$0x10100] =	vst v63  }
0x76: {  	s23 =	simm.s32 $0xF900  }
0x77: {  	[tilespmem:s23], [sflag:$0x2] =	stream.indirect_vreg.gather [hbm4b:s6+s2], $0x80, v3, vm0, $0xb8;
	[tilespmem:$0x10100] =	vst v63  }
0x78: {  	_ =	swait.ge [sflag:s9], $0x8000  }
0x79: {  	[sflag:s9] =	ssyncset.done $0x0  }
0x7a: {  	s23 =	rddreg [dreg:$0x4];
	[sflag:s9] =	ssyncadd.s32 $0xFFFF8000  }
0x7b: {  	[hbm4b:s23+s2] =	stream.linear.scatter [tilespmem:s26], [sflag:$0x3], $0x8000, $0x38;
	[tilespmem:$0x10100] =	vst v63  }
0x7c: {  	_ =	swait.ge [sflag:s20], $0x8000  }
0x7d: {  	[sflag:s20] =	ssyncset.done $0x0  }
0x7e: {  	s23 =	rddreg [dreg:$0x5];
	[sflag:s20] =	ssyncadd.s32 $0xFFFF8000  }
0x7f: {  	[tilespmem:s2], [sflag:$0x5] =	stream.linear.gather [hbm4b:s23+s2], $0x20, $0x38;
	[tilespmem:$0x10100] =	vst v63  }
0x80: {  	_ =	swait.ge [sflag:s8], $0x20  }
0x81: {  	[sflag:s8] =	ssyncset.done $0x0  }
0x82: {  	[sflag:s8] =	ssyncadd.s32 $0xFFFFFFE0  }
0x83: {  	v3 =	vld [tilespmem:$0x0];
	_ =	sdelay $0x4  }
0x84: {  	v60 =	vshll.u32 v3, $0x3  }
0x85: {  	v3 =	vand.u32 $0x7, v3;
	v4 =	vand.u32 $0xFFFFFFC0, v60  }
0x86: {  	v3 =	vor.u32 v3, v4  }
0x87: {  	v4 =	vperm.xlane v3, v0;
	_ =	sdelay $0x1  }
0x88: {  	v4 =	vadd.s32 v1, v4;
	_ =	sdelay $0x4  }
0x89: {  	[tilespmem:s26], [sflag:$0x1] =	stream.indirect_vreg.gather [hbm4b:s3+s2], $0x80, v4, vm0, $0xb8;
	[tilespmem:$0x10100] =	vst v63  }
0x8a: {  	v3 =	vperm.xlane v3, v2  }
0x8b: {  	[tilespmem:s24], [sflag:$0x1] =	stream.indirect_vreg.gather [hbm4b:s4+s2], $0x80, v4, vm0, $0xb8;
	[tilespmem:$0x10100] =	vst v63  }
0x8c: {  	v3 =	vadd.s32 v1, v3  }
0x8d: {  	[tilespmem:s25], [sflag:$0x1] =	stream.indirect_vreg.gather [hbm4b:s5+s2], $0x80, v4, vm0, $0xb8;
	[tilespmem:$0x10100] =	vst v63  }
0x8e: {  	_ = 	snop  }
0x8f: {  	[tilespmem:s28], [sflag:$0x1] =	stream.indirect_vreg.gather [hbm4b:s6+s2], $0x80, v4, vm0, $0xb8;
	[tilespmem:$0x10100] =	vst v63  }
0x90: {  	_ = 	snop  }
0x91: {  	[tilespmem:s29], [sflag:$0x1] =	stream.indirect_vreg.gather [hbm4b:s3+s2], $0x80, v3, vm0, $0xb8;
	[tilespmem:$0x10100] =	vst v63  }
0x92: {  	_ = 	snop  }
0x93: {  	[tilespmem:s30], [sflag:$0x1] =	stream.indirect_vreg.gather [hbm4b:s4+s2], $0x80, v3, vm0, $0xb8;
	[tilespmem:$0x10100] =	vst v63  }
0x94: {  	_ = 	snop  }
0x95: {  	[tilespmem:s31], [sflag:$0x1] =	stream.indirect_vreg.gather [hbm4b:s5+s2], $0x80, v3, vm0, $0xb8;
	[tilespmem:$0x10100] =	vst v63  }
0x96: {  	_ = 	snop  }
0x97: {  	[tilespmem:s0], [sflag:$0x1] =	stream.indirect_vreg.gather [hbm4b:s6+s2], $0x80, v3, vm0, $0xb8;
	[tilespmem:$0x10100] =	vst v63  }
0x98: {  	v3 =	vld [tilespmem:$0x10];
	_ =	sdelay $0x4  }
0x99: {  	v61 =	vshll.u32 v3, $0x3  }
0x9a: {  	v3 =	vand.u32 $0x7, v3;
	v4 =	vand.u32 $0xFFFFFFC0, v61  }
0x9b: {  	v3 =	vor.u32 v3, v4  }
0x9c: {  	v4 =	vperm.xlane v3, v0;
	_ =	sdelay $0x1  }
0x9d: {  	v4 =	vadd.s32 v1, v4;
	_ =	sdelay $0x4  }
0x9e: {  	[tilespmem:s1], [sflag:$0x1] =	stream.indirect_vreg.gather [hbm4b:s3+s2], $0x80, v4, vm0, $0xb8;
	[tilespmem:$0x10100] =	vst v63  }
0x9f: {  	v3 =	vperm.xlane v3, v2  }
0xa0: {  	[tilespmem:s10], [sflag:$0x1] =	stream.indirect_vreg.gather [hbm4b:s4+s2], $0x80, v4, vm0, $0xb8;
	[tilespmem:$0x10100] =	vst v63  }
0xa1: {  	v3 =	vadd.s32 v1, v3  }
0xa2: {  	[tilespmem:s11], [sflag:$0x1] =	stream.indirect_vreg.gather [hbm4b:s5+s2], $0x80, v4, vm0, $0xb8;
	[tilespmem:$0x10100] =	vst v63  }
0xa3: {  	_ = 	snop  }
0xa4: {  	[tilespmem:s12], [sflag:$0x1] =	stream.indirect_vreg.gather [hbm4b:s6+s2], $0x80, v4, vm0, $0xb8;
	[tilespmem:$0x10100] =	vst v63  }
0xa5: {  	_ = 	snop  }
0xa6: {  	[tilespmem:s13], [sflag:$0x1] =	stream.indirect_vreg.gather [hbm4b:s3+s2], $0x80, v3, vm0, $0xb8;
	[tilespmem:$0x10100] =	vst v63  }
0xa7: {  	_ = 	snop  }
0xa8: {  	[tilespmem:s14], [sflag:$0x1] =	stream.indirect_vreg.gather [hbm4b:s4+s2], $0x80, v3, vm0, $0xb8;
	[tilespmem:$0x10100] =	vst v63  }
0xa9: {  	_ = 	snop  }
0xaa: {  	[tilespmem:s15], [sflag:$0x1] =	stream.indirect_vreg.gather [hbm4b:s5+s2], $0x80, v3, vm0, $0xb8;
	[tilespmem:$0x10100] =	vst v63  }
0xab: {  	_ = 	snop  }
0xac: {  	[tilespmem:s16], [sflag:$0x1] =	stream.indirect_vreg.gather [hbm4b:s6+s2], $0x80, v3, vm0, $0xb8;
	[tilespmem:$0x10100] =	vst v63  }
0xad: {  	_ =	swait.ge [sflag:s21], $0x8000  }
0xae: {  	[sflag:s21] =	ssyncset.done $0x0  }
0xaf: {  	s0 =	rddreg [dreg:$0x6];
	[sflag:s21] =	ssyncadd.s32 $0xFFFF8000  }
0xb0: {  	[hbm4b:s0+s2] =	stream.linear.scatter [tilespmem:s19], [sflag:$0x4], $0x8000, $0x38;
	[tilespmem:$0x10100] =	vst v63  }
0xb1: {  	s0 =	simm.s32 $0x4  }
0xb2: {  	_ =	swait.ge [sflag:s0], $0x8000  }
0xb3: {  	[sflag:s0] =	ssyncset.done $0x0  }
0xb4: {  	s23 =	rddreg [dreg:$0x7];
	[sflag:s0] =	ssyncadd.s32 $0xFFFF8000  }
0xb5: {  	[tilespmem:s17], [sflag:$0x5] =	stream.linear.gather [hbm4b:s23+s2], $0x20, $0x38;
	[tilespmem:$0x10100] =	vst v63  }
0xb6: {  	_ =	swait.ge [sflag:s8], $0x20  }
0xb7: {  	[sflag:s8] =	ssyncset.done $0x0  }
0xb8: {  	[sflag:s8] =	ssyncadd.s32 $0xFFFFFFE0  }
0xb9: {  	v3 =	vld [tilespmem:$0x80];
	_ =	sdelay $0x4  }
0xba: {  	v62 =	vshll.u32 v3, $0x3  }
0xbb: {  	v3 =	vand.u32 $0x7, v3;
	v4 =	vand.u32 $0xFFFFFFC0, v62  }
0xbc: {  	v3 =	vor.u32 v3, v4  }
0xbd: {  	v4 =	vperm.xlane v3, v0;
	_ =	sdelay $0x1  }
0xbe: {  	v4 =	vadd.s32 v1, v4;
	_ =	sdelay $0x4  }
0xbf: {  	[tilespmem:s19], [sflag:$0x2] =	stream.indirect_vreg.gather [hbm4b:s3+s2], $0x80, v4, vm0, $0xb8;
	[tilespmem:$0x10100] =	vst v63  }
0xc0: {  	v3 =	vperm.xlane v3, v2  }
0xc1: {  	[tilespmem:s18], [sflag:$0x2] =	stream.indirect_vreg.gather [hbm4b:s4+s2], $0x80, v4, vm0, $0xb8;
	[tilespmem:$0x10100] =	vst v63  }
0xc2: {  	v3 =	vadd.s32 v1, v3  }
0xc3: {  	[tilespmem:s22], [sflag:$0x2] =	stream.indirect_vreg.gather [hbm4b:s5+s2], $0x80, v4, vm0, $0xb8;
	[tilespmem:$0x10100] =	vst v63  }
0xc4: {  	s23 =	simm.s32 $0x9900  }
0xc5: {  	[tilespmem:s23], [sflag:$0x2] =	stream.indirect_vreg.gather [hbm4b:s6+s2], $0x80, v4, vm0, $0xb8;
	[tilespmem:$0x10100] =	vst v63  }
0xc6: {  	s23 =	simm.s32 $0xA100  }
0xc7: {  	[tilespmem:s23], [sflag:$0x2] =	stream.indirect_vreg.gather [hbm4b:s3+s2], $0x80, v3, vm0, $0xb8;
	[tilespmem:$0x10100] =	vst v63  }
0xc8: {  	s23 =	simm.s32 $0xA900  }
0xc9: {  	[tilespmem:s23], [sflag:$0x2] =	stream.indirect_vreg.gather [hbm4b:s4+s2], $0x80, v3, vm0, $0xb8;
	[tilespmem:$0x10100] =	vst v63  }
0xca: {  	s23 =	simm.s32 $0xB100  }
0xcb: {  	[tilespmem:s23], [sflag:$0x2] =	stream.indirect_vreg.gather [hbm4b:s5+s2], $0x80, v3, vm0, $0xb8;
	[tilespmem:$0x10100] =	vst v63  }
0xcc: {  	s23 =	simm.s32 $0xB900  }
0xcd: {  	[tilespmem:s23], [sflag:$0x2] =	stream.indirect_vreg.gather [hbm4b:s6+s2], $0x80, v3, vm0, $0xb8;
	[tilespmem:$0x10100] =	vst v63  }
0xce: {  	v3 =	vld [tilespmem:$0x90];
	_ =	sdelay $0x4  }
0xcf: {  	v63 =	vshll.u32 v3, $0x3  }
0xd0: {  	v3 =	vand.u32 $0x7, v3;
	v4 =	vand.u32 $0xFFFFFFC0, v63  }
0xd1: {  	v3 =	vor.u32 v3, v4  }
0xd2: {  	v4 =	vperm.xlane v3, v0;
	_ =	sdelay $0x1  }
0xd3: {  	v4 =	vadd.s32 v1, v4;
	_ =	sdelay $0x3  }
0xd4: {  	s23 =	simm.s32 $0xC100  }
0xd5: {  	[tilespmem:s23], [sflag:$0x2] =	stream.indirect_vreg.gather [hbm4b:s3+s2], $0x80, v4, vm0, $0xb8;
	[tilespmem:$0x10100] =	vst v63  }
0xd6: {  	v3 =	vperm.xlane v3, v2;
	s23 =	simm.s32 $0xC900  }
0xd7: {  	[tilespmem:s23], [sflag:$0x2] =	stream.indirect_vreg.gather [hbm4b:s4+s2], $0x80, v4, vm0, $0xb8;
	[tilespmem:$0x10100] =	vst v63  }
0xd8: {  	v3 =	vadd.s32 v1, v3;
	s23 =	simm.s32 $0xD100  }
0xd9: {  	[tilespmem:s23], [sflag:$0x2] =	stream.indirect_vreg.gather [hbm4b:s5+s2], $0x80, v4, vm0, $0xb8;
	[tilespmem:$0x10100] =	vst v63  }
0xda: {  	s23 =	simm.s32 $0xD900  }
0xdb: {  	[tilespmem:s23], [sflag:$0x2] =	stream.indirect_vreg.gather [hbm4b:s6+s2], $0x80, v4, vm0, $0xb8;
	[tilespmem:$0x10100] =	vst v63  }
0xdc: {  	s23 =	simm.s32 $0xE100  }
0xdd: {  	[tilespmem:s23], [sflag:$0x2] =	stream.indirect_vreg.gather [hbm4b:s3+s2], $0x80, v3, vm0, $0xb8;
	[tilespmem:$0x10100] =	vst v63  }
0xde: {  	s23 =	simm.s32 $0xE900  }
0xdf: {  	[tilespmem:s23], [sflag:$0x2] =	stream.indirect_vreg.gather [hbm4b:s4+s2], $0x80, v3, vm0, $0xb8;
	[tilespmem:$0x10100] =	vst v63  }
0xe0: {  	s23 =	simm.s32 $0xF100  }
0xe1: {  	[tilespmem:s23], [sflag:$0x2] =	stream.indirect_vreg.gather [hbm4b:s5+s2], $0x80, v3, vm0, $0xb8;
	[tilespmem:$0x10100] =	vst v63  }
0xe2: {  	s23 =	simm.s32 $0xF900  }
0xe3: {  	[tilespmem:s23], [sflag:$0x2] =	stream.indirect_vreg.gather [hbm4b:s6+s2], $0x80, v3, vm0, $0xb8;
	[tilespmem:$0x10100] =	vst v63  }
0xe4: {  	_ =	swait.ge [sflag:s9], $0x8000  }
0xe5: {  	[sflag:s9] =	ssyncset.done $0x0  }
0xe6: {  	s0 =	rddreg [dreg:$0x8];
	[sflag:s9] =	ssyncadd.s32 $0xFFFF8000  }
0xe7: {  	[hbm4b:s0+s2] =	stream.linear.scatter [tilespmem:s26], [sflag:$0x3], $0x8000, $0x38;
	[tilespmem:$0x10100] =	vst v63  }
0xe8: {  	_ =	swait.ge [sflag:s21], $0x8000  }
0xe9: {  	[sflag:s21] =	ssyncset.done $0x0  }
0xea: {  	s0 =	rddreg [dreg:$0x9];
	[sflag:s21] =	ssyncadd.s32 $0xFFFF8000  }
0xeb: {  	[hbm4b:s0+s2] =	stream.linear.scatter [tilespmem:s19], [sflag:$0x5], $0x8000, $0x38;
	[tilespmem:$0x10100] =	vst v63  }
0xec: {  	p0 =	sne.s32 s7, $0x1;
	_ =	swait.ge [sflag:s8], $0x8000  }
.Ltmp0:
0xed: {  	[sflag:s8] =	ssyncset.done $0x0;
	(pc) =	sbr.rel @p0 .LBB2_1-.Ltmp0, $4  }
0xee: {  	[sflag:s8] =	ssyncadd.s32 $0xFFFF8000  }
0xef: {  	_ =	swait.ge [sflag:s20], $0x8000  }
0xf0: {  	[sflag:s20] =	ssyncset.done $0x0  }
0xf1: {  	s7 =	sadd.s32 $0xFFFFFFFF, s7;
	[sflag:s20] =	ssyncadd.s32 $0xFFFF8000  }
0xf2: {  	_ =	sfence.sel $0x180000  }
0xf3: {  	[bflag:$0x0] =	sbarrier.arrive $0xFFFF  }
0xf4: {  	_ =	strace $0x9000004A  }
0xf5: {  	s0 =	stileid.u32;
	[bflag:$0x2] =	sbarrier.arrive $0xFFFF  }
0xf6: {  	p0 =	sne.s32 s0, $0x0;
	s0 =	rddreg [dreg:$0x1]  }
0xf7: {  	s0 =	sadd.s32 @!p0 $0x100000, s0  }
0xf8: {  	[sflag:s0] =	ssyncadd.tile.s32 @!p0 $0x1;
	_ =	shalt  }
.Lfunc_end2:
_tile_overlayer_lowered:
.L_overlay_start_2:
0xf9: {  	(tag) =	ssettag $0x2  }
0xfa: {  	s0 =	rddreg [dreg:$0x0];
	s2 =	stileid.u32  }
0xfb: {  	s1 =	rddreg [dreg:$0x1];
	p0 =	sne.s32 s2, $0x0  }
0xfc: {  	s3 =	rddreg [dreg:$0x2];
	[bflag:$0x3] =	sbarrier.arrive $0xFFFF;
	s2 =	simm.s32 @!p0 $0x1C05  }
0xfd: {  	[timem:s3], [sflag:s2] =	dma.local @!p0 [hbm:s0], s1  }
0xfe: {  	s0 =	simm.s32 @!p0 $0x5  }
0xff: {  	_ =	swait.ge @!p0 [sflag:s0], s1  }
0x100: {  	s1 =	ssub.s32 @!p0 $0x0, s1;
	[sflag:s0] =	ssyncset.done @!p0 $0x0  }
0x101: {  	[sflag:s0] =	ssyncadd.s32 @!p0 s1  }
0x102: {  	[bflag:$0x3] =	sbarrier.arrive $0xFFFF  }
0x103: {  	_ =	shalt  }

// kernel: kernel.7.cloned.1.call-start
scs
__scs_entry_jumppad:
0x0: {  	(pc) =	sbr.rel $0x88, $3  }
0x1: {  	(tag) =	ssettag $0x0;
	lr =	simm.s32 $0x1  }
0x2: {  	[smem:$0x3F9C] =	sst lr;
	_ =	strace $0xD0000000  }
0x3: {  	_ = 	snop  }
0x4: {  	_ = 	snop  }
0x5: {  	_ = 	snop  }
0x6: {  	_ = 	snop  }
0x7: {  	_ = 	snop  }
__scs_overlays_trampoline_lowered:
0x8: {  	[smem:$0x3FAB] =	sst s0  }
0x9: {  	[smem:$0x3FAC] =	sst s1  }
0xa: {  	[smem:$0x3FAD] =	sst s2  }
0xb: {  	[smem:$0x3FAE] =	sst s3  }
0xc: {  	[smem:$0x3FAF] =	sst s4  }
0xd: {  	[smem:$0x3FB0] =	sst s5  }
0xe: {  	[smem:$0x3FB1] =	sst s6  }
0xf: {  	[smem:$0x3FB2] =	sst s7  }
0x10: {  	[smem:$0x3FB3] =	sst s8  }
0x11: {  	[smem:$0x3FB4] =	sst s9;
	s0 =	simm.s32 @!p0 $0x0  }
0x12: {  	s1 =	sld [smem:$0x3F9A];
	s0 =	simm.s32 @p0 $0x1  }
0x13: {  	[smem:$0x3FB5] =	sst s0;
	s0 =	simm.s32 @!p1 $0x0  }
0x14: {  	s2 =	sld [smem:$0x3F99];
	s0 =	simm.s32 @p1 $0x1  }
0x15: {  	[smem:$0x3FB6] =	sst s0;
	s0 =	simm.s32 @!p2 $0x0  }
0x16: {  	s3 =	sld [smem:$0x3FDB];
	s0 =	simm.s32 @p2 $0x1  }
0x17: {  	s4 =	simm.s32 $0x1BF5;
	[smem:$0x3FB8] =	sst s0  }
0x18: {  	s0 =	sld [smem:$0x3F9B];
	_ =	swait.ge [sflag:s4], $0x0  }
0x19: {  	s7 =	sld [smem:$0x3F9C]  }
0x1a: {  	s8 =	sadd.s32 $0xFFFFE003, lr  }
0x1b: {  	s9 =	sadd.s32 $0xFFFFFEF7, lr;
	s5 =	simm.s32 $0xFFFFFFFF;
	p2 =	slt.u32 s8, $0xFFFFF086  }
0x1c: {  	p1 =	slt.u32 s9, $0xF7A;
	s5 =	simm.s32 @!p2 $0x0  }
0x1d: {  	s5 =	simm.s32 @p1 $0x1;
	p0 =	seq.s32 s7, s2  }
0x1e: {  	s7 =	smul.u32 @!p0 $0xF7A, s2;
	p2 =	seq.s32 @!p0 s5, $0x0  }
0x1f: {  	s9 =	smul.u32 $0xF7A, s1;
	s8 =	simm.s32 @!p0 $0x1BF5;
	p2 =	por !p2, p0  }
0x20: {  	[sflag:s8] =	ssyncset.s32 @!p0 $0xFFFFF086;
	s6 =	sadd.s32 @!p0 s3, s7;
	s7 =	simm.s32 @!p0 $0x108  }
0x21: {  	s3 =	sadd.s32 s3, s9;
	s6 =	sadd.s32 @!p0 $0x88, s6;
	s7 =	simm.s32 @p2 $0x1082  }
0x22: {  	[simem:s7], [sflag:s8] =	dma.local @!p0 [hbm:s6], $0xF7A  }
0x23: {  	s9 =	sor.u32 $0xD0000000, s2;
	s6 =	simm.s32 $0x108;
	_ =	swait.ge @!p0 [sflag:s8], $0x0  }
0x24: {  	s3 =	sadd.s32 $0x88, s3;
	s6 =	simm.s32 @!p1 $0x1082;
	[sflag:s4] =	ssyncset.s32 $0xFFFFF086  }
0x25: {  	[simem:s6], [sflag:s4] =	dma.local [hbm:s3], $0xF7A  }
0x26: {  	[smem:$0x3F9C] =	sst s1;
	(tag) =	ssettag s2;
	_ =	strace s9  }
0x27: {  	s1 =	sld [smem:$0x3FAC]  }
0x28: {  	s2 =	sld [smem:$0x3FAD]  }
0x29: {  	s4 =	sld [smem:$0x3FAF]  }
0x2a: {  	p0 =	seq.s32 s5, $0x0;
	s5 =	sld [smem:$0x3FB0]  }
0x2b: {  	s6 =	sld [smem:$0x3FB1]  }
0x2c: {  	s7 =	sld [smem:$0x3FB2]  }
0x2d: {  	s3 =	simm.s32 $0x108;
	s8 =	sld [smem:$0x3FB3]  }
0x2e: {  	s3 =	simm.s32 @!p0 $0x1082;
	s9 =	sld [smem:$0x3FB4]  }
0x2f: {  	lr =	sadd.s32 s0, s3;
	s0 =	sld [smem:$0x3FAB]  }
0x30: {  	s3 =	sld [smem:$0x3FAE]  }
0x31: {  	[smem:$0x3FB7] =	sst s10  }
0x32: {  	s10 =	sld [smem:$0x3FB5];
	_ =	sdelay $0x3  }
0x33: {  	p0 =	seq.s32 s10, $0x1;
	s10 =	sld [smem:$0x3FB7];
	_ =	sdelay $0x3  }
0x34: {  	[smem:$0x3FB7] =	sst s10  }
0x35: {  	s10 =	sld [smem:$0x3FB6];
	_ =	sdelay $0x3  }
0x36: {  	p1 =	seq.s32 s10, $0x1;
	s10 =	sld [smem:$0x3FB7];
	_ =	sdelay $0x3  }
0x37: {  	[smem:$0x3FB7] =	sst s10  }
0x38: {  	s10 =	sld [smem:$0x3FB8]  }
0x39: {  	_ = 	snop;
	(pc) =	sbr.ind lr, $3  }
0x3a: {  	_ = 	snop  }
0x3b: {  	_ = 	snop  }
0x3c: {  	p2 =	seq.s32 s10, $0x1;
	s10 =	sld [smem:$0x3FB7]  }
0x3d: {  	_ =	shalt  }
0x3e: {  	_ =	shalt  }
0x3f: {  	_ =	shalt  }
0x40: {  	_ =	shalt  }
0x41: {  	_ =	shalt  }
0x42: {  	_ =	shalt  }
0x43: {  	_ =	shalt  }
0x44: {  	_ =	shalt  }
0x45: {  	_ =	shalt  }
0x46: {  	_ =	shalt  }
0x47: {  	_ =	shalt  }
0x48: {  	_ =	shalt  }
0x49: {  	_ =	shalt  }
0x4a: {  	_ =	shalt  }
0x4b: {  	_ =	shalt  }
0x4c: {  	_ =	shalt  }
0x4d: {  	_ =	shalt  }
0x4e: {  	_ =	shalt  }
0x4f: {  	_ =	shalt  }
0x50: {  	_ =	shalt  }
0x51: {  	_ =	shalt  }
0x52: {  	_ =	shalt  }
0x53: {  	_ =	shalt  }
0x54: {  	_ =	shalt  }
0x55: {  	_ =	shalt  }
0x56: {  	_ =	shalt  }
0x57: {  	_ =	shalt  }
0x58: {  	_ =	shalt  }
0x59: {  	_ =	shalt  }
0x5a: {  	_ =	shalt  }
0x5b: {  	_ =	shalt  }
0x5c: {  	_ =	shalt  }
0x5d: {  	_ =	shalt  }
0x5e: {  	_ =	shalt  }
0x5f: {  	_ =	shalt  }
0x60: {  	_ =	shalt  }
0x61: {  	_ =	shalt  }
0x62: {  	_ =	shalt  }
0x63: {  	_ =	shalt  }
0x64: {  	_ =	shalt  }
0x65: {  	_ =	shalt  }
0x66: {  	_ =	shalt  }
0x67: {  	_ =	shalt  }
0x68: {  	_ =	shalt  }
0x69: {  	_ =	shalt  }
0x6a: {  	_ =	shalt  }
0x6b: {  	_ =	shalt  }
0x6c: {  	_ =	shalt  }
0x6d: {  	_ =	shalt  }
0x6e: {  	_ =	shalt  }
0x6f: {  	_ =	shalt  }
0x70: {  	_ =	shalt  }
0x71: {  	_ =	shalt  }
0x72: {  	_ =	shalt  }
0x73: {  	_ =	shalt  }
0x74: {  	_ =	shalt  }
0x75: {  	_ =	shalt  }
0x76: {  	_ =	shalt  }
0x77: {  	_ =	shalt  }
0x78: {  	_ =	shalt  }
0x79: {  	_ =	shalt  }
0x7a: {  	_ =	shalt  }
0x7b: {  	_ =	shalt  }
0x7c: {  	_ =	shalt  }
0x7d: {  	_ =	shalt  }
0x7e: {  	_ =	shalt  }
0x7f: {  	_ =	shalt  }
0x80: {  	_ =	shalt  }
0x81: {  	_ =	shalt  }
0x82: {  	_ =	shalt  }
0x83: {  	_ =	shalt  }
0x84: {  	_ =	shalt  }
0x85: {  	_ =	shalt  }
0x86: {  	_ =	shalt  }
0x87: {  	_ =	shalt  }
.Lfunc_end0:
.L_simem_size_0:
called_computation_lowered:
.L_overlay_start_0:
0x88: {  	s2 =	sld [smem:$0x3FD9]  }
0x89: {  	s3 =	sld [smem:$0x3FFE];
	_ =	sdelay $0x1  }
0x8a: {  	s1 =	srdreg.scid  }
0x8b: {  	s0 =	sand.u32 $0x1, s1  }
0x8c: {  	s17 =	sshll.u32 s0, $0xA;
	s2 =	sadd.s32 s3, s2  }
0x8d: {  	s2 =	sadd.s32 s2, s17  }
0x8e: {  	[smem:$0x3FC3] =	sst s2  }
0x8f: {  	_ = 	snop  }
0x90: {  	s2 =	sld [smem:$0x3FC9];
	(tm) =	ssettm $0x1  }
0x91: {  	s18 =	sld [smem:$0x3FFB];
	_ =	sdelay $0x3  }
0x92: {  	_ =	strace s18  }
0x93: {  	s3 =	sld [smem:$0x3FFC];
	_ =	sdelay $0x3  }
0x94: {  	_ =	strace s3  }
0x95: {  	s3 =	sld [smem:$0x3FFD];
	_ =	sdelay $0x3  }
0x96: {  	_ =	strace s3  }
0x97: {  	_ =	strace $0x8FFFFFFF  }
0x98: {  	s19 =	sld [smem:$0x3FDB];
	_ =	sdelay $0x1  }
0x99: {  	s4 =	simm.s32 $_scs_section_size  }
0x9a: {  	s5 =	simm.s32 $_size__tile_overlayer_lowered;
	s6 =	simm.s32 $_tile_overlayer_lowered  }
0x9b: {  	s22 =	simm.s32 $0x1BFF;
	s21 =	sshll.u32 s6, $0x1;
	s3 =	sadd.s32 s4, s19  }
0x9c: {  	s7 =	simm.s32 $0x0;
	s20 =	sshll.u32 s5, $0x1;
	s5 =	sadd.s32 s21, s3  }
0x9d: {  	[timem:s7], [sflag:s22] =	dma.local [hbm:s5], s20  }
0x9e: {  	_ =	swait.ge [sflag:s22], s20  }
0x9f: {  	s4 =	ssub.s32 $0x0, s20;
	[sflag:s22] =	ssyncset.done $0x0  }
0xa0: {  	[sflag:s22] =	ssyncadd.s32 s4;
	_ =	sdelay $0x1  }
0xa1: {  	s23 =	simm.s32 $0x1B8B  }
0xa2: {  	_ =	swait.ge [sflag:s23], $0x1  }
0xa3: {  	[sflag:s23] =	ssyncset.done $0x0  }
0xa4: {  	s25 =	simm.s32 $0x1B8E;
	s24 =	sld [smem:$0x3FFE];
	[sflag:s23] =	ssyncadd.s32 $0xFFFFFFFF  }
0xa5: {  	s26 =	simm.s32 $execute0_lowered;
	[smem:$0x3FD2] =	sst s25  }
0xa6: {  	s5 =	sshll.u32 s26, $0x1;
	_ =	strace $0x80000046;
	[dreg:$0x1] =	wrdreg $0xFFFFFFFF  }
0xa7: {  	s28 =	simm.s32 $_size_execute0_lowered;
	s3 =	sadd.s32 s3, s5;
	[dreg:$0x0] =	wrdreg $0x0  }
0xa8: {  	s5 =	sshll.u32 s28, $0x1;
	[dreg:$0x2] =	wrdreg s3  }
0xa9: {  	[dreg:$0x3] =	wrdreg s5  }
0xaa: {  	[dreg:$0x4] =	wrdreg $0xC0  }
0xab: {  	_ =	task [dreg:s7], $0x5FFFF  }
0xac: {  	[dreg:$0x1] =	wrdreg $0xFFFFFFFF  }
0xad: {  	[dreg:$0x0] =	wrdreg $0x60  }
0xae: {  	[dreg:$0x2] =	wrdreg s2  }
0xaf: {  	[dreg:$0x3] =	wrdreg s24  }
0xb0: {  	[dreg:$0x4] =	wrdreg $0x9  }
0xb1: {  	_ =	task.clear_ibuf [dreg:s7], $0x5FFFF;
	_ =	strace $0x90000046  }
0xb2: {  	s29 =	simm.s32 $0x9;
	_ =	strace $0x80000048  }
0xb3: {  	_ =	swait.ge [sflag:s29], $0x1  }
0xb4: {  	[sflag:s29] =	ssyncadd.s32 $0xFFFFFFFF  }
0xb5: {  	_ =	strace $0x90000048  }
0xb6: {  	_ =	sfence  }
0xb7: {  	s30 =	sld [smem:$0x0];
	_ =	sdelay $0x2  }
0xb8: {  	s31 =	sshll.u32 s1, $0xD;
	s1 =	sshrl.u32 s1, $0x2  }
0xb9: {  	s3 =	sand.u32 $0x4000, s31;
	s1 =	sadd.s32 s1, s30  }
0xba: {  	s0 =	sor.u32 s3, s0;
	s1 =	sshll.u32 s1, $0x11  }
0xbb: {  	s0 =	sor.u32 s1, s0  }
0xbc: {  	s0 =	sadd.s32 $0x8F2B, s0  }
0xbd: {  	[sflag:s0] =	ssyncadd.remote.s32 $0x1  }
0xbe: {  	_ =	sfence.sel $0xFFFF  }
0xbf: {  	[dreg:$0x0] =	wrdreg $0xFFFFFFFF;
	(pc) =	sbr.abs _section_cstart, $3  }
0xc0: {  	[dreg:$0x1] =	wrdreg $0xFFFFFFFF  }
0xc1: {  	_ =	task.clear_ibuf [dreg:s7], $0x2FFFF;
	_ =	strace $0x9FFFFFFF  }
0xc2: {  	(tm) =	ssettm $0x7FFFFFFF  }
0xc3: {  	_ =	shalt  }
tec
execute0_lowered:
.L_overlay_start_1:
0x0: {  	(tag) =	ssettag $0x1  }
0x1: {  	s0 =	srdreg.scid;
	s1 =	rddreg [dreg:$0x0]  }
0x2: {  	s2 =	stileid.u32;
	s4 =	rddreg [dreg:$0x1]  }
0x3: {  	s9 =	simm.s32 $0x3;
	s28 =	simm.s32 $0x100;
	s29 =	simm.s32 $0x2900  }
0x4: {  	s30 =	simm.s32 $0x3100;
	s31 =	simm.s32 $0x3900;
	s11 =	simm.s32 $0x5100  }
0x5: {  	s12 =	simm.s32 $0x5900;
	s13 =	simm.s32 $0x6100;
	s14 =	simm.s32 $0x6900  }
0x6: {  	s15 =	simm.s32 $0x7100;
	s16 =	simm.s32 $0x7900;
	s17 =	simm.s32 $0x8900  }
0x7: {  	s0 =	sand.u32 $0x1, s0;
	s3 =	sshll.u32 s2, $0x8;
	s2 =	simm.s32 $0x0  }
0x8: {  	s10 =	simm.s32 $0xA100;
	s5 =	sshll.u32 s0, $0x7;
	[smem:$0x7FF] =	sst s2  }
0x9: {  	s0 =	ssub.s32 $0x2, s0;
	s3 =	sor.u32 s5, s3;
	_ =	strace $0x80000047  }
0xa: {  	s22 =	sshrl.u32 s0, $0x1;
	s5 =	sshrl.u32 s3, $0x3;
	s18 =	sshll.u32 s3, $0x7  }
0xb: {  	s3 =	sadd.s32 $0xA00, s4;
	s0 =	ssub.s32 s0, s22;
	s6 =	sadd.s32 s5, s4  }
0xc: {  	s5 =	sand.u32 $0x3C000, s18;
	s8 =	smax.u32 s0, $0x1;
	s7 =	sadd.s32 $0x800, s6  }
0xd: {  	s18 =	simm.s32 $0x9100;
	s20 =	sadd.s32 $0x804, s6;
	[dreg:$0x3] =	wrdreg s7  }
0xe: {  	s19 =	sadd.s32 s1, s5;
	s23 =	sadd.s32 $0x808, s6;
	[dreg:$0x4] =	wrdreg s20  }
0xf: {  	s5 =	sadd.s32 $0xB00, s4;
	s25 =	sadd.s32 $0x80C, s6;
	[dreg:$0x6] =	wrdreg s23  }
0x10: {  	s6 =	sadd.s32 $0xC00, s4;
	s21 =	sadd.s32 $0x1000, s19;
	[dreg:$0x8] =	wrdreg s25  }
0x11: {  	s24 =	sadd.s32 $0x2000, s19;
	[dreg:$0xa] =	wrdreg s19;
	s26 =	sadd.s32 $0x3000, s19  }
0x12: {  	s7 =	sadd.s32 $0xD00, s4;
	s20 =	simm.s32 $0x1;
	[dreg:$0x5] =	wrdreg s21  }
0x13: {  	v2 =	vlaneseq.u32;
	s23 =	simm.s32 $0x900;
	s25 =	simm.s32 $0x1900;
	[dreg:$0x7] =	wrdreg s24  }
0x14: {  	vm0 =	vmmov $0xffff;
	v1 =	vshrl.u32 v2, $0x3;
	s4 =	simm.s32 $0x4900;
	s19 =	simm.s32 $0x9900;
	[dreg:$0x9] =	wrdreg s26  }
0x15: {  	v0 =	vand.u32 $0x7, v2;
	v2 =	vor.u32 $0x8, v2;
	v1 =	vmul.u32 $0x8, v1;
	s21 =	simm.s32 $0x2;
	s24 =	simm.s32 $0x1100;
	s26 =	simm.s32 $0x2100  }
.LBB2_1:
0x16: {  	s22 =	rddreg [dreg:$0x3]  }
0x17: {  	[tilespmem:s2], [sflag:$0x3] =	stream.linear.gather [hbm4b:s22+s2], $0x20, $0x38;
	[tilespmem:$0x10100] =	vst v63  }
0x18: {  	_ =	swait.ge [sflag:s9], $0x20  }
0x19: {  	[sflag:s9] =	ssyncset.done $0x0  }
0x1a: {  	s0 =	rddreg [dreg:$0xa];
	[sflag:s9] =	ssyncadd.s32 $0xFFFFFFE0  }
0x1b: {  	[tilespmem:s28], [sflag:$0x3] =	stream.linear.gather [hbm4b:s0+s2], $0x8000, $0x38;
	[tilespmem:$0x10100] =	vst v63  }
0x1c: {  	_ =	swait.ge [sflag:s9], $0x8000  }
0x1d: {  	[sflag:s9] =	ssyncset.done $0x0  }
0x1e: {  	[sflag:s9] =	ssyncadd.s32 $0xFFFF8000  }
0x1f: {  	v3 =	vld [tilespmem:$0x0];
	_ =	sdelay $0x4  }
0x20: {  	v4 =	vshll.u32 v3, $0x3  }
0x21: {  	v3 =	vand.u32 $0x7, v3;
	v4 =	vand.u32 $0xFFFFFFC0, v4  }
0x22: {  	v3 =	vor.u32 v3, v4  }
0x23: {  	v4 =	vperm.xlane v3, v0;
	_ =	sdelay $0x1  }
0x24: {  	v4 =	vadd.s32 v1, v4;
	_ =	sdelay $0x4  }
0x25: {  	[hbm4b:s3+s2] =	stream.indirect_vreg.scatter [tilespmem:s28], [sflag:$0x1], $0x80, v4, vm0, $0xb8;
	[tilespmem:$0x10100] =	vst v63  }
0x26: {  	v3 =	vperm.xlane v3, v2  }
0x27: {  	[hbm4b:s5+s2] =	stream.indirect_vreg.scatter [tilespmem:s23], [sflag:$0x1], $0x80, v4, vm0, $0xb8;
	[tilespmem:$0x10100] =	vst v63  }
0x28: {  	v3 =	vadd.s32 v1, v3  }
0x29: {  	[hbm4b:s6+s2] =	stream.indirect_vreg.scatter [tilespmem:s24], [sflag:$0x1], $0x80, v4, vm0, $0xb8;
	[tilespmem:$0x10100] =	vst v63  }
0x2a: {  	_ = 	snop  }
0x2b: {  	[hbm4b:s7+s2] =	stream.indirect_vreg.scatter [tilespmem:s25], [sflag:$0x1], $0x80, v4, vm0, $0xb8;
	[tilespmem:$0x10100] =	vst v63  }
0x2c: {  	_ = 	snop  }
0x2d: {  	[hbm4b:s3+s2] =	stream.indirect_vreg.scatter [tilespmem:s26], [sflag:$0x1], $0x80, v3, vm0, $0xb8;
	[tilespmem:$0x10100] =	vst v63  }
0x2e: {  	_ = 	snop  }
0x2f: {  	[hbm4b:s5+s2] =	stream.indirect_vreg.scatter [tilespmem:s29], [sflag:$0x1], $0x80, v3, vm0, $0xb8;
	[tilespmem:$0x10100] =	vst v63  }
0x30: {  	_ = 	snop  }
0x31: {  	[hbm4b:s6+s2] =	stream.indirect_vreg.scatter [tilespmem:s30], [sflag:$0x1], $0x80, v3, vm0, $0xb8;
	[tilespmem:$0x10100] =	vst v63  }
0x32: {  	_ = 	snop  }
0x33: {  	[hbm4b:s7+s2] =	stream.indirect_vreg.scatter [tilespmem:s31], [sflag:$0x1], $0x80, v3, vm0, $0xb8;
	[tilespmem:$0x10100] =	vst v63  }
0x34: {  	v3 =	vld [tilespmem:$0x10];
	_ =	sdelay $0x4  }
0x35: {  	v57 =	vshll.u32 v3, $0x3  }
0x36: {  	v3 =	vand.u32 $0x7, v3;
	v4 =	vand.u32 $0xFFFFFFC0, v57  }
0x37: {  	v3 =	vor.u32 v3, v4  }
0x38: {  	v4 =	vperm.xlane v3, v0;
	_ =	sdelay $0x1  }
0x39: {  	v4 =	vadd.s32 v1, v4;
	_ =	sdelay $0x3  }
0x3a: {  	s1 =	simm.s32 $0x4100  }
0x3b: {  	[hbm4b:s3+s2] =	stream.indirect_vreg.scatter [tilespmem:s1], [sflag:$0x1], $0x80, v4, vm0, $0xb8;
	[tilespmem:$0x10100] =	vst v63  }
0x3c: {  	v3 =	vperm.xlane v3, v2  }
0x3d: {  	[hbm4b:s5+s2] =	stream.indirect_vreg.scatter [tilespmem:s4], [sflag:$0x1], $0x80, v4, vm0, $0xb8;
	[tilespmem:$0x10100] =	vst v63  }
0x3e: {  	v3 =	vadd.s32 v1, v3  }
0x3f: {  	[hbm4b:s6+s2] =	stream.indirect_vreg.scatter [tilespmem:s11], [sflag:$0x1], $0x80, v4, vm0, $0xb8;
	[tilespmem:$0x10100] =	vst v63  }
0x40: {  	_ = 	snop  }
0x41: {  	[hbm4b:s7+s2] =	stream.indirect_vreg.scatter [tilespmem:s12], [sflag:$0x1], $0x80, v4, vm0, $0xb8;
	[tilespmem:$0x10100] =	vst v63  }
0x42: {  	_ = 	snop  }
0x43: {  	[hbm4b:s3+s2] =	stream.indirect_vreg.scatter [tilespmem:s13], [sflag:$0x1], $0x80, v3, vm0, $0xb8;
	[tilespmem:$0x10100] =	vst v63  }
0x44: {  	_ = 	snop  }
0x45: {  	[hbm4b:s5+s2] =	stream.indirect_vreg.scatter [tilespmem:s14], [sflag:$0x1], $0x80, v3, vm0, $0xb8;
	[tilespmem:$0x10100] =	vst v63  }
0x46: {  	_ = 	snop  }
0x47: {  	[hbm4b:s6+s2] =	stream.indirect_vreg.scatter [tilespmem:s15], [sflag:$0x1], $0x80, v3, vm0, $0xb8;
	[tilespmem:$0x10100] =	vst v63  }
0x48: {  	_ = 	snop  }
0x49: {  	[hbm4b:s7+s2] =	stream.indirect_vreg.scatter [tilespmem:s16], [sflag:$0x1], $0x80, v3, vm0, $0xb8;
	[tilespmem:$0x10100] =	vst v63  }
0x4a: {  	s0 =	simm.s32 $0x80;
	s22 =	rddreg [dreg:$0x4]  }
0x4b: {  	[tilespmem:s0], [sflag:$0x3] =	stream.linear.gather [hbm4b:s22+s2], $0x20, $0x38;
	[tilespmem:$0x10100] =	vst v63  }
0x4c: {  	_ =	swait.ge [sflag:s9], $0x20  }
0x4d: {  	[sflag:s9] =	ssyncset.done $0x0  }
0x4e: {  	s0 =	simm.s32 $0x8100;
	s22 =	rddreg [dreg:$0x5];
	[sflag:s9] =	ssyncadd.s32 $0xFFFFFFE0  }
0x4f: {  	[tilespmem:s0], [sflag:$0x3] =	stream.linear.gather [hbm4b:s22+s2], $0x8000, $0x38;
	[tilespmem:$0x10100] =	vst v63  }
0x50: {  	_ =	swait.ge [sflag:s9], $0x8000  }
0x51: {  	[sflag:s9] =	ssyncset.done $0x0  }
0x52: {  	[sflag:s9] =	ssyncadd.s32 $0xFFFF8000  }
0x53: {  	v3 =	vld [tilespmem:$0x80];
	_ =	sdelay $0x4  }
0x54: {  	v58 =	vshll.u32 v3, $0x3  }
0x55: {  	v3 =	vand.u32 $0x7, v3;
	v4 =	vand.u32 $0xFFFFFFC0, v58  }
0x56: {  	v3 =	vor.u32 v3, v4  }
0x57: {  	v4 =	vperm.xlane v3, v0;
	_ =	sdelay $0x1  }
0x58: {  	v4 =	vadd.s32 v1, v4;
	_ =	sdelay $0x4  }
0x59: {  	[hbm4b:s3+s2] =	stream.indirect_vreg.scatter [tilespmem:s0], [sflag:$0x2], $0x80, v4, vm0, $0xb8;
	[tilespmem:$0x10100] =	vst v63  }
0x5a: {  	v3 =	vperm.xlane v3, v2  }
0x5b: {  	[hbm4b:s5+s2] =	stream.indirect_vreg.scatter [tilespmem:s17], [sflag:$0x2], $0x80, v4, vm0, $0xb8;
	[tilespmem:$0x10100] =	vst v63  }
0x5c: {  	v3 =	vadd.s32 v1, v3  }
0x5d: {  	[hbm4b:s6+s2] =	stream.indirect_vreg.scatter [tilespmem:s18], [sflag:$0x2], $0x80, v4, vm0, $0xb8;
	[tilespmem:$0x10100] =	vst v63  }
0x5e: {  	_ = 	snop  }
0x5f: {  	[hbm4b:s7+s2] =	stream.indirect_vreg.scatter [tilespmem:s19], [sflag:$0x2], $0x80, v4, vm0, $0xb8;
	[tilespmem:$0x10100] =	vst v63  }
0x60: {  	_ = 	snop  }
0x61: {  	[hbm4b:s3+s2] =	stream.indirect_vreg.scatter [tilespmem:s10], [sflag:$0x2], $0x80, v3, vm0, $0xb8;
	[tilespmem:$0x10100] =	vst v63  }
0x62: {  	s22 =	simm.s32 $0xA900  }
0x63: {  	[hbm4b:s5+s2] =	stream.indirect_vreg.scatter [tilespmem:s22], [sflag:$0x2], $0x80, v3, vm0, $0xb8;
	[tilespmem:$0x10100] =	vst v63  }
0x64: {  	s22 =	simm.s32 $0xB100  }
0x65: {  	[hbm4b:s6+s2] =	stream.indirect_vreg.scatter [tilespmem:s22], [sflag:$0x2], $0x80, v3, vm0, $0xb8;
	[tilespmem:$0x10100] =	vst v63  }
0x66: {  	s22 =	simm.s32 $0xB900  }
0x67: {  	[hbm4b:s7+s2] =	stream.indirect_vreg.scatter [tilespmem:s22], [sflag:$0x2], $0x80, v3, vm0, $0xb8;
	[tilespmem:$0x10100] =	vst v63  }
0x68: {  	v3 =	vld [tilespmem:$0x90];
	_ =	sdelay $0x4  }
0x69: {  	v59 =	vshll.u32 v3, $0x3  }
0x6a: {  	v3 =	vand.u32 $0x7, v3;
	v4 =	vand.u32 $0xFFFFFFC0, v59  }
0x6b: {  	v3 =	vor.u32 v3, v4  }
0x6c: {  	v4 =	vperm.xlane v3, v0;
	_ =	sdelay $0x1  }
0x6d: {  	v4 =	vadd.s32 v1, v4;
	_ =	sdelay $0x3  }
0x6e: {  	s22 =	simm.s32 $0xC100  }
0x6f: {  	[hbm4b:s3+s2] =	stream.indirect_vreg.scatter [tilespmem:s22], [sflag:$0x2], $0x80, v4, vm0, $0xb8;
	[tilespmem:$0x10100] =	vst v63  }
0x70: {  	v3 =	vperm.xlane v3, v2;
	s22 =	simm.s32 $0xC900  }
0x71: {  	[hbm4b:s5+s2] =	stream.indirect_vreg.scatter [tilespmem:s22], [sflag:$0x2], $0x80, v4, vm0, $0xb8;
	[tilespmem:$0x10100] =	vst v63  }
0x72: {  	v3 =	vadd.s32 v1, v3;
	s22 =	simm.s32 $0xD100  }
0x73: {  	[hbm4b:s6+s2] =	stream.indirect_vreg.scatter [tilespmem:s22], [sflag:$0x2], $0x80, v4, vm0, $0xb8;
	[tilespmem:$0x10100] =	vst v63  }
0x74: {  	s22 =	simm.s32 $0xD900  }
0x75: {  	[hbm4b:s7+s2] =	stream.indirect_vreg.scatter [tilespmem:s22], [sflag:$0x2], $0x80, v4, vm0, $0xb8;
	[tilespmem:$0x10100] =	vst v63  }
0x76: {  	s22 =	simm.s32 $0xE100  }
0x77: {  	[hbm4b:s3+s2] =	stream.indirect_vreg.scatter [tilespmem:s22], [sflag:$0x2], $0x80, v3, vm0, $0xb8;
	[tilespmem:$0x10100] =	vst v63  }
0x78: {  	s22 =	simm.s32 $0xE900  }
0x79: {  	[hbm4b:s5+s2] =	stream.indirect_vreg.scatter [tilespmem:s22], [sflag:$0x2], $0x80, v3, vm0, $0xb8;
	[tilespmem:$0x10100] =	vst v63  }
0x7a: {  	s22 =	simm.s32 $0xF100  }
0x7b: {  	[hbm4b:s6+s2] =	stream.indirect_vreg.scatter [tilespmem:s22], [sflag:$0x2], $0x80, v3, vm0, $0xb8;
	[tilespmem:$0x10100] =	vst v63  }
0x7c: {  	s22 =	simm.s32 $0xF900  }
0x7d: {  	[hbm4b:s7+s2] =	stream.indirect_vreg.scatter [tilespmem:s22], [sflag:$0x2], $0x80, v3, vm0, $0xb8;
	[tilespmem:$0x10100] =	vst v63  }
0x7e: {  	_ =	swait.ge [sflag:s20], $0x8000  }
0x7f: {  	[sflag:s20] =	ssyncset.done $0x0  }
0x80: {  	s22 =	rddreg [dreg:$0x6];
	[sflag:s20] =	ssyncadd.s32 $0xFFFF8000  }
0x81: {  	[tilespmem:s2], [sflag:$0x3] =	stream.linear.gather [hbm4b:s22+s2], $0x20, $0x38;
	[tilespmem:$0x10100] =	vst v63  }
0x82: {  	_ =	swait.ge [sflag:s9], $0x20  }
0x83: {  	[sflag:s9] =	ssyncset.done $0x0  }
0x84: {  	s22 =	rddreg [dreg:$0x7];
	[sflag:s9] =	ssyncadd.s32 $0xFFFFFFE0  }
0x85: {  	[tilespmem:s28], [sflag:$0x3] =	stream.linear.gather [hbm4b:s22+s2], $0x8000, $0x38;
	[tilespmem:$0x10100] =	vst v63  }
0x86: {  	_ =	swait.ge [sflag:s9], $0x8000  }
0x87: {  	[sflag:s9] =	ssyncset.done $0x0  }
0x88: {  	[sflag:s9] =	ssyncadd.s32 $0xFFFF8000  }
0x89: {  	v3 =	vld [tilespmem:$0x0];
	_ =	sdelay $0x4  }
0x8a: {  	v60 =	vshll.u32 v3, $0x3  }
0x8b: {  	v3 =	vand.u32 $0x7, v3;
	v4 =	vand.u32 $0xFFFFFFC0, v60  }
0x8c: {  	v3 =	vor.u32 v3, v4  }
0x8d: {  	v4 =	vperm.xlane v3, v0;
	_ =	sdelay $0x1  }
0x8e: {  	v4 =	vadd.s32 v1, v4;
	_ =	sdelay $0x4  }
0x8f: {  	[hbm4b:s3+s2] =	stream.indirect_vreg.scatter [tilespmem:s28], [sflag:$0x1], $0x80, v4, vm0, $0xb8;
	[tilespmem:$0x10100] =	vst v63  }
0x90: {  	v3 =	vperm.xlane v3, v2  }
0x91: {  	[hbm4b:s5+s2] =	stream.indirect_vreg.scatter [tilespmem:s23], [sflag:$0x1], $0x80, v4, vm0, $0xb8;
	[tilespmem:$0x10100] =	vst v63  }
0x92: {  	v3 =	vadd.s32 v1, v3  }
0x93: {  	[hbm4b:s6+s2] =	stream.indirect_vreg.scatter [tilespmem:s24], [sflag:$0x1], $0x80, v4, vm0, $0xb8;
	[tilespmem:$0x10100] =	vst v63  }
0x94: {  	_ = 	snop  }
0x95: {  	[hbm4b:s7+s2] =	stream.indirect_vreg.scatter [tilespmem:s25], [sflag:$0x1], $0x80, v4, vm0, $0xb8;
	[tilespmem:$0x10100] =	vst v63  }
0x96: {  	_ = 	snop  }
0x97: {  	[hbm4b:s3+s2] =	stream.indirect_vreg.scatter [tilespmem:s26], [sflag:$0x1], $0x80, v3, vm0, $0xb8;
	[tilespmem:$0x10100] =	vst v63  }
0x98: {  	_ = 	snop  }
0x99: {  	[hbm4b:s5+s2] =	stream.indirect_vreg.scatter [tilespmem:s29], [sflag:$0x1], $0x80, v3, vm0, $0xb8;
	[tilespmem:$0x10100] =	vst v63  }
0x9a: {  	_ = 	snop  }
0x9b: {  	[hbm4b:s6+s2] =	stream.indirect_vreg.scatter [tilespmem:s30], [sflag:$0x1], $0x80, v3, vm0, $0xb8;
	[tilespmem:$0x10100] =	vst v63  }
0x9c: {  	_ = 	snop  }
0x9d: {  	[hbm4b:s7+s2] =	stream.indirect_vreg.scatter [tilespmem:s31], [sflag:$0x1], $0x80, v3, vm0, $0xb8;
	[tilespmem:$0x10100] =	vst v63  }
0x9e: {  	v3 =	vld [tilespmem:$0x10];
	_ =	sdelay $0x4  }
0x9f: {  	v61 =	vshll.u32 v3, $0x3  }
0xa0: {  	v3 =	vand.u32 $0x7, v3;
	v4 =	vand.u32 $0xFFFFFFC0, v61  }
0xa1: {  	v3 =	vor.u32 v3, v4  }
0xa2: {  	v4 =	vperm.xlane v3, v0;
	_ =	sdelay $0x1  }
0xa3: {  	v4 =	vadd.s32 v1, v4;
	_ =	sdelay $0x4  }
0xa4: {  	[hbm4b:s3+s2] =	stream.indirect_vreg.scatter [tilespmem:s1], [sflag:$0x1], $0x80, v4, vm0, $0xb8;
	[tilespmem:$0x10100] =	vst v63  }
0xa5: {  	v3 =	vperm.xlane v3, v2  }
0xa6: {  	[hbm4b:s5+s2] =	stream.indirect_vreg.scatter [tilespmem:s4], [sflag:$0x1], $0x80, v4, vm0, $0xb8;
	[tilespmem:$0x10100] =	vst v63  }
0xa7: {  	v3 =	vadd.s32 v1, v3  }
0xa8: {  	[hbm4b:s6+s2] =	stream.indirect_vreg.scatter [tilespmem:s11], [sflag:$0x1], $0x80, v4, vm0, $0xb8;
	[tilespmem:$0x10100] =	vst v63  }
0xa9: {  	_ = 	snop  }
0xaa: {  	[hbm4b:s7+s2] =	stream.indirect_vreg.scatter [tilespmem:s12], [sflag:$0x1], $0x80, v4, vm0, $0xb8;
	[tilespmem:$0x10100] =	vst v63  }
0xab: {  	_ = 	snop  }
0xac: {  	[hbm4b:s3+s2] =	stream.indirect_vreg.scatter [tilespmem:s13], [sflag:$0x1], $0x80, v3, vm0, $0xb8;
	[tilespmem:$0x10100] =	vst v63  }
0xad: {  	_ = 	snop  }
0xae: {  	[hbm4b:s5+s2] =	stream.indirect_vreg.scatter [tilespmem:s14], [sflag:$0x1], $0x80, v3, vm0, $0xb8;
	[tilespmem:$0x10100] =	vst v63  }
0xaf: {  	_ = 	snop  }
0xb0: {  	[hbm4b:s6+s2] =	stream.indirect_vreg.scatter [tilespmem:s15], [sflag:$0x1], $0x80, v3, vm0, $0xb8;
	[tilespmem:$0x10100] =	vst v63  }
0xb1: {  	_ = 	snop  }
0xb2: {  	[hbm4b:s7+s2] =	stream.indirect_vreg.scatter [tilespmem:s16], [sflag:$0x1], $0x80, v3, vm0, $0xb8;
	[tilespmem:$0x10100] =	vst v63  }
0xb3: {  	_ =	swait.ge [sflag:s21], $0x8000  }
0xb4: {  	[sflag:s21] =	ssyncset.done $0x0  }
0xb5: {  	s1 =	simm.s32 $0x80;
	s22 =	rddreg [dreg:$0x8];
	[sflag:s21] =	ssyncadd.s32 $0xFFFF8000  }
0xb6: {  	[tilespmem:s1], [sflag:$0x3] =	stream.linear.gather [hbm4b:s22+s2], $0x20, $0x38;
	[tilespmem:$0x10100] =	vst v63  }
0xb7: {  	_ =	swait.ge [sflag:s9], $0x20  }
0xb8: {  	[sflag:s9] =	ssyncset.done $0x0  }
0xb9: {  	s1 =	rddreg [dreg:$0x9];
	[sflag:s9] =	ssyncadd.s32 $0xFFFFFFE0  }
0xba: {  	[tilespmem:s0], [sflag:$0x3] =	stream.linear.gather [hbm4b:s1+s2], $0x8000, $0x38;
	[tilespmem:$0x10100] =	vst v63  }
0xbb: {  	_ =	swait.ge [sflag:s9], $0x8000  }
0xbc: {  	[sflag:s9] =	ssyncset.done $0x0  }
0xbd: {  	[sflag:s9] =	ssyncadd.s32 $0xFFFF8000  }
0xbe: {  	v3 =	vld [tilespmem:$0x80];
	_ =	sdelay $0x4  }
0xbf: {  	v62 =	vshll.u32 v3, $0x3  }
0xc0: {  	v3 =	vand.u32 $0x7, v3;
	v4 =	vand.u32 $0xFFFFFFC0, v62  }
0xc1: {  	v3 =	vor.u32 v3, v4  }
0xc2: {  	v4 =	vperm.xlane v3, v0;
	_ =	sdelay $0x1  }
0xc3: {  	v4 =	vadd.s32 v1, v4;
	_ =	sdelay $0x4  }
0xc4: {  	[hbm4b:s3+s2] =	stream.indirect_vreg.scatter [tilespmem:s0], [sflag:$0x2], $0x80, v4, vm0, $0xb8;
	[tilespmem:$0x10100] =	vst v63  }
0xc5: {  	v3 =	vperm.xlane v3, v2  }
0xc6: {  	[hbm4b:s5+s2] =	stream.indirect_vreg.scatter [tilespmem:s17], [sflag:$0x2], $0x80, v4, vm0, $0xb8;
	[tilespmem:$0x10100] =	vst v63  }
0xc7: {  	v3 =	vadd.s32 v1, v3  }
0xc8: {  	[hbm4b:s6+s2] =	stream.indirect_vreg.scatter [tilespmem:s18], [sflag:$0x2], $0x80, v4, vm0, $0xb8;
	[tilespmem:$0x10100] =	vst v63  }
0xc9: {  	_ = 	snop  }
0xca: {  	[hbm4b:s7+s2] =	stream.indirect_vreg.scatter [tilespmem:s19], [sflag:$0x2], $0x80, v4, vm0, $0xb8;
	[tilespmem:$0x10100] =	vst v63  }
0xcb: {  	_ = 	snop  }
0xcc: {  	[hbm4b:s3+s2] =	stream.indirect_vreg.scatter [tilespmem:s10], [sflag:$0x2], $0x80, v3, vm0, $0xb8;
	[tilespmem:$0x10100] =	vst v63  }
0xcd: {  	s22 =	simm.s32 $0xA900  }
0xce: {  	[hbm4b:s5+s2] =	stream.indirect_vreg.scatter [tilespmem:s22], [sflag:$0x2], $0x80, v3, vm0, $0xb8;
	[tilespmem:$0x10100] =	vst v63  }
0xcf: {  	s1 =	simm.s32 $0xB100  }
0xd0: {  	[hbm4b:s6+s2] =	stream.indirect_vreg.scatter [tilespmem:s1], [sflag:$0x2], $0x80, v3, vm0, $0xb8;
	[tilespmem:$0x10100] =	vst v63  }
0xd1: {  	s22 =	simm.s32 $0xB900  }
0xd2: {  	[hbm4b:s7+s2] =	stream.indirect_vreg.scatter [tilespmem:s22], [sflag:$0x2], $0x80, v3, vm0, $0xb8;
	[tilespmem:$0x10100] =	vst v63  }
0xd3: {  	v3 =	vld [tilespmem:$0x90];
	_ =	sdelay $0x4  }
0xd4: {  	v63 =	vshll.u32 v3, $0x3  }
0xd5: {  	v3 =	vand.u32 $0x7, v3;
	v4 =	vand.u32 $0xFFFFFFC0, v63  }
0xd6: {  	v3 =	vor.u32 v3, v4  }
0xd7: {  	v4 =	vperm.xlane v3, v0;
	_ =	sdelay $0x1  }
0xd8: {  	v4 =	vadd.s32 v1, v4;
	_ =	sdelay $0x3  }
0xd9: {  	s1 =	simm.s32 $0xC100  }
0xda: {  	[hbm4b:s3+s2] =	stream.indirect_vreg.scatter [tilespmem:s1], [sflag:$0x2], $0x80, v4, vm0, $0xb8;
	[tilespmem:$0x10100] =	vst v63  }
0xdb: {  	s22 =	simm.s32 $0xC900;
	v3 =	vperm.xlane v3, v2  }
0xdc: {  	[hbm4b:s5+s2] =	stream.indirect_vreg.scatter [tilespmem:s22], [sflag:$0x2], $0x80, v4, vm0, $0xb8;
	[tilespmem:$0x10100] =	vst v63  }
0xdd: {  	v3 =	vadd.s32 v1, v3;
	s1 =	simm.s32 $0xD100  }
0xde: {  	[hbm4b:s6+s2] =	stream.indirect_vreg.scatter [tilespmem:s1], [sflag:$0x2], $0x80, v4, vm0, $0xb8;
	[tilespmem:$0x10100] =	vst v63  }
0xdf: {  	s22 =	simm.s32 $0xD900  }
0xe0: {  	[hbm4b:s7+s2] =	stream.indirect_vreg.scatter [tilespmem:s22], [sflag:$0x2], $0x80, v4, vm0, $0xb8;
	[tilespmem:$0x10100] =	vst v63  }
0xe1: {  	s1 =	simm.s32 $0xE100  }
0xe2: {  	[hbm4b:s3+s2] =	stream.indirect_vreg.scatter [tilespmem:s1], [sflag:$0x2], $0x80, v3, vm0, $0xb8;
	[tilespmem:$0x10100] =	vst v63  }
0xe3: {  	s22 =	simm.s32 $0xE900  }
0xe4: {  	[hbm4b:s5+s2] =	stream.indirect_vreg.scatter [tilespmem:s22], [sflag:$0x2], $0x80, v3, vm0, $0xb8;
	[tilespmem:$0x10100] =	vst v63  }
0xe5: {  	s1 =	simm.s32 $0xF100  }
0xe6: {  	[hbm4b:s6+s2] =	stream.indirect_vreg.scatter [tilespmem:s1], [sflag:$0x2], $0x80, v3, vm0, $0xb8;
	[tilespmem:$0x10100] =	vst v63  }
0xe7: {  	s22 =	simm.s32 $0xF900  }
0xe8: {  	[hbm4b:s7+s2] =	stream.indirect_vreg.scatter [tilespmem:s22], [sflag:$0x2], $0x80, v3, vm0, $0xb8;
	[tilespmem:$0x10100] =	vst v63  }
0xe9: {  	p0 =	sne.s32 s8, $0x1;
	_ =	swait.ge [sflag:s20], $0x8000  }
.Ltmp0:
0xea: {  	[sflag:s20] =	ssyncset.done $0x0;
	(pc) =	sbr.rel @p0 .LBB2_1-.Ltmp0, $4  }
0xeb: {  	[sflag:s20] =	ssyncadd.s32 $0xFFFF8000  }
0xec: {  	_ =	swait.ge [sflag:s21], $0x8000  }
0xed: {  	[sflag:s21] =	ssyncset.done $0x0  }
0xee: {  	s8 =	sadd.s32 $0xFFFFFFFF, s8;
	[sflag:s21] =	ssyncadd.s32 $0xFFFF8000  }
0xef: {  	_ =	sfence.sel $0x180000  }
0xf0: {  	[bflag:$0x0] =	sbarrier.arrive $0xFFFF  }
0xf1: {  	_ =	strace $0x90000047  }
0xf2: {  	s0 =	stileid.u32;
	[bflag:$0x2] =	sbarrier.arrive $0xFFFF  }
0xf3: {  	p0 =	sne.s32 s0, $0x0;
	s0 =	rddreg [dreg:$0x2]  }
0xf4: {  	s0 =	sadd.s32 @!p0 $0x100000, s0  }
0xf5: {  	[sflag:s0] =	ssyncadd.tile.s32 @!p0 $0x1;
	_ =	shalt  }
.Lfunc_end2:
_tile_overlayer_lowered:
.L_overlay_start_2:
0xf6: {  	(tag) =	ssettag $0x2  }
0xf7: {  	s0 =	rddreg [dreg:$0x0];
	s2 =	stileid.u32  }
0xf8: {  	s1 =	rddreg [dreg:$0x1];
	p0 =	sne.s32 s2, $0x0  }
0xf9: {  	s3 =	rddreg [dreg:$0x2];
	[bflag:$0x3] =	sbarrier.arrive $0xFFFF;
	s2 =	simm.s32 @!p0 $0x1C03  }
0xfa: {  	[timem:s3], [sflag:s2] =	dma.local @!p0 [hbm:s0], s1  }
0xfb: {  	s0 =	simm.s32 @!p0 $0x3  }
0xfc: {  	_ =	swait.ge @!p0 [sflag:s0], s1  }
0xfd: {  	s1 =	ssub.s32 @!p0 $0x0, s1;
	[sflag:s0] =	ssyncset.done @!p0 $0x0  }
0xfe: {  	[sflag:s0] =	ssyncadd.s32 @!p0 s1  }
0xff: {  	[bflag:$0x3] =	sbarrier.arrive $0xFFFF  }
0x100: {  	_ =	shalt  }

</sc_bundles>
